<compile_context>
chip_gen: v7x
topology: tpu7x:2x2x1
jax: 0.10.2.dev20260603
libtpu: 0.0.44.dev20260713+nightly
codegen_flags: <defaults>
</compile_context>

<pallas_src>
import functools

import jax
import jax.numpy as jnp
from jax import lax
from jax.experimental import pallas as pl
from jax.experimental.pallas import tpu as pltpu
from jax.experimental.pallas import tpu_sc as plsc

NC = 2
NS = 16
NW = NC * NS
GB = 4
M = 4
K = 2


@functools.partial(jax.jit, static_argnames=("nb", "s", "d"))
def _emb_lookup(xi, table, *, nb, s, d):
    nq = nb // GB
    mesh = plsc.VectorSubcoreMesh(
        core_axis_name="c", subcore_axis_name="s",
        num_cores=NC, num_subcores=NS,
    )

    @functools.partial(
        pl.kernel,
        out_type=jax.ShapeDtypeStruct((NW * nb, s, d), jnp.float32),
        mesh=mesh,
        scratch_types=[
            pltpu.VMEM((nb, s), jnp.int32),
            [pltpu.VMEM((GB, s, d), jnp.float32) for _ in range(M)],
            [pltpu.SemaphoreType.DMA for _ in range(M)],
            [pltpu.SemaphoreType.DMA for _ in range(M)],
        ],
    )
    def emb_kernel(table_hbm, idx_hbm, out_hbm, idx_v, rows, gsem, wsem):
        wid = lax.axis_index("s") * NC + lax.axis_index("c")
        base = wid * nb
        pltpu.sync_copy(idx_hbm.at[pl.ds(base, nb)], idx_v)

        def gathers(q, b):
            for u in range(GB):
                pltpu.async_copy(
                    table_hbm.at[idx_v.at[q * GB + u]], rows[b].at[u],
                    gsem[b])

        def wait_gathers(q, b):
            for u in range(GB):
                pltpu.make_async_copy(
                    table_hbm.at[idx_v.at[q * GB + u]], rows[b].at[u],
                    gsem[b]).wait()

        def write(q, b):
            pltpu.async_copy(
                rows[b], out_hbm.at[pl.ds(base + q * GB, GB)], wsem[b])

        def wait_write(q, b):
            pltpu.make_async_copy(
                rows[b], out_hbm.at[pl.ds(base + q * GB, GB)],
                wsem[b]).wait()

        for b in range(M):
            gathers(b, b)
            if b >= K:
                qq = b - K
                wait_gathers(qq, qq)
                write(qq, qq)

        def round_body(r, _):
            for b in range(M):
                q = r * M + b
                wait_write(q - M, b)
                gathers(q, b)
                bb = (b - K) % M
                wait_gathers(q - K, bb)
                write(q - K, bb)
            return ()

        lax.fori_loop(1, nq // M, round_body, ())

        for qq in range(nq - K, nq):
            bb = qq % M
            wait_gathers(qq, bb)
            write(qq, bb)
        for b in range(M):
            wait_write(nq - M + b, b)

    return emb_kernel(table, xi)


def kernel(x, table):
    n, s = x.shape
    d = table.shape[1]
    assert n % (NW * GB) == 0
    nb = n // NW
    nq = nb // GB
    assert nq % M == 0 and nq >= 2 * M
    xi = x.astype(jnp.int32)
    return _emb_lookup(xi, table, nb=nb, s=s, d=d)

# --- scband reference (transcript-rebuilt; emitter-appended) ---
"""Pipeline reference for scband-embeddings-45329084842411 (READ-ONLY COPY).

The authoritative reference and input builder live on the scoring server;
editing this copy changes nothing except your own understanding.
"""

import jax, jax.numpy as jnp
import numpy as np

VOCAB = 100000
D_MODEL = 128

def setup_inputs(seed: int = 0) -> dict:
    key = jax.random.key(seed)
    k1, k2 = jax.random.split(key)
    x = jax.random.randint(k1, (4096, 50), 0, VOCAB, dtype=jnp.int64)
    table = jax.random.normal(k2, (VOCAB, D_MODEL), dtype=jnp.float32)
    return {"x": x, "table": table}

def reference(x, table):
    # Embeddings.forward: return self.lut(x)
    return jnp.take(table, x, axis=0)

if __name__ == "__main__":
    import jax
    _d = setup_inputs()
    print(jax.jit(kernel)(*tuple(_d.values())))

</pallas_src>

<mosaic_0001>
#map = affine_map<(d0, d1) -> (0, 0)>
#map1 = affine_map<(d0, d1) -> (0, 0, 0)>
module attributes {stable_mosaic.version = 14 : i64} {
  func.func @emb_kernel(%arg0: i32, %arg1: i32, %arg2: memref<100000x128xf32, #tpu.memory_space<hbm>>, %arg3: memref<4096x50xi32, #tpu.memory_space<hbm>>, %arg4: memref<4096x50x128xf32, #tpu.memory_space<hbm>>, %arg5: memref<128x50xi32, #tpu.memory_space<vmem>>, %arg6: memref<4x50x128xf32, #tpu.memory_space<vmem>>, %arg7: memref<4x50x128xf32, #tpu.memory_space<vmem>>, %arg8: memref<4x50x128xf32, #tpu.memory_space<vmem>>, %arg9: memref<4x50x128xf32, #tpu.memory_space<vmem>>, %arg10: memref<!tpu.dma_semaphore, #tpu.memory_space<semaphore_mem>>, %arg11: memref<!tpu.dma_semaphore, #tpu.memory_space<semaphore_mem>>, %arg12: memref<!tpu.dma_semaphore, #tpu.memory_space<semaphore_mem>>, %arg13: memref<!tpu.dma_semaphore, #tpu.memory_space<semaphore_mem>>, %arg14: memref<!tpu.dma_semaphore, #tpu.memory_space<semaphore_mem>>, %arg15: memref<!tpu.dma_semaphore, #tpu.memory_space<semaphore_mem>>, %arg16: memref<!tpu.dma_semaphore, #tpu.memory_space<semaphore_mem>>, %arg17: memref<!tpu.dma_semaphore, #tpu.memory_space<semaphore_mem>>) attributes {dimension_semantics = [#tpu.dimension_semantics<core_parallel>, #tpu.dimension_semantics<subcore_parallel>], iteration_bounds = array<i64: 2, 16>, scalar_prefetch = 0 : i64, scratch_operands = 13 : i64, tpu.core_type = #tpu.core_type<sc_vector_subcore>, window_params = [{transform_indices = #map}, {transform_indices = #map}, {transform_indices = #map1}]} {
    %mul3A = arith.constant 2 : i32
    %mul3A_0 = arith.muli %arg1, %mul3A : i32
    %add3A = arith.addi %mul3A_0, %arg0 : i32
    %mul3A_1 = arith.constant 128 : i32
    %mul3A_2 = arith.muli %add3A, %mul3A_1 : i32
    "tpu.region"() ({
      %run_scoped3A = tpu.sem_alloc : memref<!tpu.dma_semaphore, #tpu.memory_space<semaphore_mem>>
      %dma_start3A_453 = arith.constant 0 : i32
      %dma_start3A_454 = tpu.memref_slice %arg3[%mul3A_2, %dma_start3A_453] : memref<4096x50xi32, #tpu.memory_space<hbm>> -> memref<128x50xi32, #tpu.memory_space<hbm>>
      %dma_start3A_455 = arith.constant 0 : i32
      %dma_start3A_456 = tpu.memref_slice %arg3[%mul3A_2, %dma_start3A_455] : memref<4096x50xi32, #tpu.memory_space<hbm>> -> memref<128x50xi32, #tpu.memory_space<hbm>>
      tpu.enqueue_dma source(%dma_start3A_456 : memref<128x50xi32, #tpu.memory_space<hbm>>) target(%arg5 : memref<128x50xi32, #tpu.memory_space<vmem>>) target_semaphore(%run_scoped3A : memref<!tpu.dma_semaphore, #tpu.memory_space<semaphore_mem>>)
      %dma_wait3A_457 = arith.constant 0 : i32
      %dma_wait3A_458 = tpu.memref_slice %arg3[%mul3A_2, %dma_wait3A_457] : memref<4096x50xi32, #tpu.memory_space<hbm>> -> memref<128x50xi32, #tpu.memory_space<hbm>>
      %dma_wait3A_459 = arith.constant 0 : i32
      %dma_wait3A_460 = tpu.memref_slice %arg3[%mul3A_2, %dma_wait3A_459] : memref<4096x50xi32, #tpu.memory_space<hbm>> -> memref<128x50xi32, #tpu.memory_space<hbm>>
      tpu.wait_dma2 semaphore(%run_scoped3A : memref<!tpu.dma_semaphore, #tpu.memory_space<semaphore_mem>>) src(%dma_wait3A_460 : memref<128x50xi32, #tpu.memory_space<hbm>>) dst(%arg5 : memref<128x50xi32, #tpu.memory_space<vmem>>)
      tpu.yield
    }) : () -> ()
    %dma_start3A = arith.constant 0 : i32
    %dma_start3A_3 = arith.constant 0 : i32
    %dma_start3A_4 = arith.constant 0 : i32
    %dma_start3A_5 = arith.constant 0 : i32
    %dma_start3A_6 = tpu.memref_slice %arg6[%dma_start3A_3, %dma_start3A_4, %dma_start3A_5] : memref<4x50x128xf32, #tpu.memory_space<vmem>> -> memref<1x50x128xf32, #tpu.memory_space<vmem>>
    %dma_start3A_7 = tpu.memref_squeeze %dma_start3A_6 : memref<1x50x128xf32, #tpu.memory_space<vmem>> -> memref<50x128xf32, #tpu.memory_space<vmem>>
    %dma_start3A_8 = arith.constant 0 : i32
    %dma_start3A_9 = tpu.memref_slice %arg5[%dma_start3A, %dma_start3A_8] : memref<128x50xi32, #tpu.memory_space<vmem>> -> memref<1x50xi32, #tpu.memory_space<vmem>>
    %dma_start3A_10 = tpu.memref_squeeze %dma_start3A_9 : memref<1x50xi32, #tpu.memory_space<vmem>> -> memref<50xi32, #tpu.memory_space<vmem>>
    %dma_start3A_11 = arith.constant 0 : i32
    %dma_start3A_12 = arith.constant 0 : i32
    %dma_start3A_13 = tpu.memref_slice %arg2[%dma_start3A_11, %dma_start3A_12] : memref<100000x128xf32, #tpu.memory_space<hbm>> -> memref<100000x128xf32, #tpu.memory_space<hbm>>
    tpu.enqueue_indirect_dma source(%dma_start3A_13 : memref<100000x128xf32, #tpu.memory_space<hbm>>) target(%dma_start3A_7 : memref<50x128xf32, #tpu.memory_space<vmem>>) offsets(%dma_start3A_10 : memref<50xi32, #tpu.memory_space<vmem>>) semaphore(%arg10 : memref<!tpu.dma_semaphore, #tpu.memory_space<semaphore_mem>>)
    %dma_start3A_14 = arith.constant 1 : i32
    %dma_start3A_15 = arith.constant 1 : i32
    %dma_start3A_16 = arith.constant 0 : i32
    %dma_start3A_17 = arith.constant 0 : i32
    %dma_start3A_18 = tpu.memref_slice %arg6[%dma_start3A_15, %dma_start3A_16, %dma_start3A_17] : memref<4x50x128xf32, #tpu.memory_space<vmem>> -> memref<1x50x128xf32, #tpu.memory_space<vmem>>
    %dma_start3A_19 = tpu.memref_squeeze %dma_start3A_18 : memref<1x50x128xf32, #tpu.memory_space<vmem>> -> memref<50x128xf32, #tpu.memory_space<vmem>>
    %dma_start3A_20 = arith.constant 0 : i32
    %dma_start3A_21 = tpu.memref_slice %arg5[%dma_start3A_14, %dma_start3A_20] : memref<128x50xi32, #tpu.memory_space<vmem>> -> memref<1x50xi32, #tpu.memory_space<vmem>>
    %dma_start3A_22 = tpu.memref_squeeze %dma_start3A_21 : memref<1x50xi32, #tpu.memory_space<vmem>> -> memref<50xi32, #tpu.memory_space<vmem>>
    %dma_start3A_23 = arith.constant 0 : i32
    %dma_start3A_24 = arith.constant 0 : i32
    %dma_start3A_25 = tpu.memref_slice %arg2[%dma_start3A_23, %dma_start3A_24] : memref<100000x128xf32, #tpu.memory_space<hbm>> -> memref<100000x128xf32, #tpu.memory_space<hbm>>
    tpu.enqueue_indirect_dma source(%dma_start3A_25 : memref<100000x128xf32, #tpu.memory_space<hbm>>) target(%dma_start3A_19 : memref<50x128xf32, #tpu.memory_space<vmem>>) offsets(%dma_start3A_22 : memref<50xi32, #tpu.memory_space<vmem>>) semaphore(%arg10 : memref<!tpu.dma_semaphore, #tpu.memory_space<semaphore_mem>>)
    %dma_start3A_26 = arith.constant 2 : i32
    %dma_start3A_27 = arith.constant 2 : i32
    %dma_start3A_28 = arith.constant 0 : i32
    %dma_start3A_29 = arith.constant 0 : i32
    %dma_start3A_30 = tpu.memref_slice %arg6[%dma_start3A_27, %dma_start3A_28, %dma_start3A_29] : memref<4x50x128xf32, #tpu.memory_space<vmem>> -> memref<1x50x128xf32, #tpu.memory_space<vmem>>
    %dma_start3A_31 = tpu.memref_squeeze %dma_start3A_30 : memref<1x50x128xf32, #tpu.memory_space<vmem>> -> memref<50x128xf32, #tpu.memory_space<vmem>>
    %dma_start3A_32 = arith.constant 0 : i32
    %dma_start3A_33 = tpu.memref_slice %arg5[%dma_start3A_26, %dma_start3A_32] : memref<128x50xi32, #tpu.memory_space<vmem>> -> memref<1x50xi32, #tpu.memory_space<vmem>>
    %dma_start3A_34 = tpu.memref_squeeze %dma_start3A_33 : memref<1x50xi32, #tpu.memory_space<vmem>> -> memref<50xi32, #tpu.memory_space<vmem>>
    %dma_start3A_35 = arith.constant 0 : i32
    %dma_start3A_36 = arith.constant 0 : i32
    %dma_start3A_37 = tpu.memref_slice %arg2[%dma_start3A_35, %dma_start3A_36] : memref<100000x128xf32, #tpu.memory_space<hbm>> -> memref<100000x128xf32, #tpu.memory_space<hbm>>
    tpu.enqueue_indirect_dma source(%dma_start3A_37 : memref<100000x128xf32, #tpu.memory_space<hbm>>) target(%dma_start3A_31 : memref<50x128xf32, #tpu.memory_space<vmem>>) offsets(%dma_start3A_34 : memref<50xi32, #tpu.memory_space<vmem>>) semaphore(%arg10 : memref<!tpu.dma_semaphore, #tpu.memory_space<semaphore_mem>>)
    %dma_start3A_38 = arith.constant 3 : i32
    %dma_start3A_39 = arith.constant 3 : i32
    %dma_start3A_40 = arith.constant 0 : i32
    %dma_start3A_41 = arith.constant 0 : i32
    %dma_start3A_42 = tpu.memref_slice %arg6[%dma_start3A_39, %dma_start3A_40, %dma_start3A_41] : memref<4x50x128xf32, #tpu.memory_space<vmem>> -> memref<1x50x128xf32, #tpu.memory_space<vmem>>
    %dma_start3A_43 = tpu.memref_squeeze %dma_start3A_42 : memref<1x50x128xf32, #tpu.memory_space<vmem>> -> memref<50x128xf32, #tpu.memory_space<vmem>>
    %dma_start3A_44 = arith.constant 0 : i32
    %dma_start3A_45 = tpu.memref_slice %arg5[%dma_start3A_38, %dma_start3A_44] : memref<128x50xi32, #tpu.memory_space<vmem>> -> memref<1x50xi32, #tpu.memory_space<vmem>>
    %dma_start3A_46 = tpu.memref_squeeze %dma_start3A_45 : memref<1x50xi32, #tpu.memory_space<vmem>> -> memref<50xi32, #tpu.memory_space<vmem>>
    %dma_start3A_47 = arith.constant 0 : i32
    %dma_start3A_48 = arith.constant 0 : i32
    %dma_start3A_49 = tpu.memref_slice %arg2[%dma_start3A_47, %dma_start3A_48] : memref<100000x128xf32, #tpu.memory_space<hbm>> -> memref<100000x128xf32, #tpu.memory_space<hbm>>
    tpu.enqueue_indirect_dma source(%dma_start3A_49 : memref<100000x128xf32, #tpu.memory_space<hbm>>) target(%dma_start3A_43 : memref<50x128xf32, #tpu.memory_space<vmem>>) offsets(%dma_start3A_46 : memref<50xi32, #tpu.memory_space<vmem>>) semaphore(%arg10 : memref<!tpu.dma_semaphore, #tpu.memory_space<semaphore_mem>>)
    %dma_start3A_50 = arith.constant 4 : i32
    %dma_start3A_51 = arith.constant 0 : i32
    %dma_start3A_52 = arith.constant 0 : i32
    %dma_start3A_53 = arith.constant 0 : i32
    %dma_start3A_54 = tpu.memref_slice %arg7[%dma_start3A_51, %dma_start3A_52, %dma_start3A_53] : memref<4x50x128xf32, #tpu.memory_space<vmem>> -> memref<1x50x128xf32, #tpu.memory_space<vmem>>
    %dma_start3A_55 = tpu.memref_squeeze %dma_start3A_54 : memref<1x50x128xf32, #tpu.memory_space<vmem>> -> memref<50x128xf32, #tpu.memory_space<vmem>>
    %dma_start3A_56 = arith.constant 0 : i32
    %dma_start3A_57 = tpu.memref_slice %arg5[%dma_start3A_50, %dma_start3A_56] : memref<128x50xi32, #tpu.memory_space<vmem>> -> memref<1x50xi32, #tpu.memory_space<vmem>>
    %dma_start3A_58 = tpu.memref_squeeze %dma_start3A_57 : memref<1x50xi32, #tpu.memory_space<vmem>> -> memref<50xi32, #tpu.memory_space<vmem>>
    %dma_start3A_59 = arith.constant 0 : i32
    %dma_start3A_60 = arith.constant 0 : i32
    %dma_start3A_61 = tpu.memref_slice %arg2[%dma_start3A_59, %dma_start3A_60] : memref<100000x128xf32, #tpu.memory_space<hbm>> -> memref<100000x128xf32, #tpu.memory_space<hbm>>
    tpu.enqueue_indirect_dma source(%dma_start3A_61 : memref<100000x128xf32, #tpu.memory_space<hbm>>) target(%dma_start3A_55 : memref<50x128xf32, #tpu.memory_space<vmem>>) offsets(%dma_start3A_58 : memref<50xi32, #tpu.memory_space<vmem>>) semaphore(%arg11 : memref<!tpu.dma_semaphore, #tpu.memory_space<semaphore_mem>>)
    %dma_start3A_62 = arith.constant 5 : i32
    %dma_start3A_63 = arith.constant 1 : i32
    %dma_start3A_64 = arith.constant 0 : i32
    %dma_start3A_65 = arith.constant 0 : i32
    %dma_start3A_66 = tpu.memref_slice %arg7[%dma_start3A_63, %dma_start3A_64, %dma_start3A_65] : memref<4x50x128xf32, #tpu.memory_space<vmem>> -> memref<1x50x128xf32, #tpu.memory_space<vmem>>
    %dma_start3A_67 = tpu.memref_squeeze %dma_start3A_66 : memref<1x50x128xf32, #tpu.memory_space<vmem>> -> memref<50x128xf32, #tpu.memory_space<vmem>>
    %dma_start3A_68 = arith.constant 0 : i32
    %dma_start3A_69 = tpu.memref_slice %arg5[%dma_start3A_62, %dma_start3A_68] : memref<128x50xi32, #tpu.memory_space<vmem>> -> memref<1x50xi32, #tpu.memory_space<vmem>>
    %dma_start3A_70 = tpu.memref_squeeze %dma_start3A_69 : memref<1x50xi32, #tpu.memory_space<vmem>> -> memref<50xi32, #tpu.memory_space<vmem>>
    %dma_start3A_71 = arith.constant 0 : i32
    %dma_start3A_72 = arith.constant 0 : i32
    %dma_start3A_73 = tpu.memref_slice %arg2[%dma_start3A_71, %dma_start3A_72] : memref<100000x128xf32, #tpu.memory_space<hbm>> -> memref<100000x128xf32, #tpu.memory_space<hbm>>
    tpu.enqueue_indirect_dma source(%dma_start3A_73 : memref<100000x128xf32, #tpu.memory_space<hbm>>) target(%dma_start3A_67 : memref<50x128xf32, #tpu.memory_space<vmem>>) offsets(%dma_start3A_70 : memref<50xi32, #tpu.memory_space<vmem>>) semaphore(%arg11 : memref<!tpu.dma_semaphore, #tpu.memory_space<semaphore_mem>>)
    %dma_start3A_74 = arith.constant 6 : i32
    %dma_start3A_75 = arith.constant 2 : i32
    %dma_start3A_76 = arith.constant 0 : i32
    %dma_start3A_77 = arith.constant 0 : i32
    %dma_start3A_78 = tpu.memref_slice %arg7[%dma_start3A_75, %dma_start3A_76, %dma_start3A_77] : memref<4x50x128xf32, #tpu.memory_space<vmem>> -> memref<1x50x128xf32, #tpu.memory_space<vmem>>
    %dma_start3A_79 = tpu.memref_squeeze %dma_start3A_78 : memref<1x50x128xf32, #tpu.memory_space<vmem>> -> memref<50x128xf32, #tpu.memory_space<vmem>>
    %dma_start3A_80 = arith.constant 0 : i32
    %dma_start3A_81 = tpu.memref_slice %arg5[%dma_start3A_74, %dma_start3A_80] : memref<128x50xi32, #tpu.memory_space<vmem>> -> memref<1x50xi32, #tpu.memory_space<vmem>>
    %dma_start3A_82 = tpu.memref_squeeze %dma_start3A_81 : memref<1x50xi32, #tpu.memory_space<vmem>> -> memref<50xi32, #tpu.memory_space<vmem>>
    %dma_start3A_83 = arith.constant 0 : i32
    %dma_start3A_84 = arith.constant 0 : i32
    %dma_start3A_85 = tpu.memref_slice %arg2[%dma_start3A_83, %dma_start3A_84] : memref<100000x128xf32, #tpu.memory_space<hbm>> -> memref<100000x128xf32, #tpu.memory_space<hbm>>
    tpu.enqueue_indirect_dma source(%dma_start3A_85 : memref<100000x128xf32, #tpu.memory_space<hbm>>) target(%dma_start3A_79 : memref<50x128xf32, #tpu.memory_space<vmem>>) offsets(%dma_start3A_82 : memref<50xi32, #tpu.memory_space<vmem>>) semaphore(%arg11 : memref<!tpu.dma_semaphore, #tpu.memory_space<semaphore_mem>>)
    %dma_start3A_86 = arith.constant 7 : i32
    %dma_start3A_87 = arith.constant 3 : i32
    %dma_start3A_88 = arith.constant 0 : i32
    %dma_start3A_89 = arith.constant 0 : i32
    %dma_start3A_90 = tpu.memref_slice %arg7[%dma_start3A_87, %dma_start3A_88, %dma_start3A_89] : memref<4x50x128xf32, #tpu.memory_space<vmem>> -> memref<1x50x128xf32, #tpu.memory_space<vmem>>
    %dma_start3A_91 = tpu.memref_squeeze %dma_start3A_90 : memref<1x50x128xf32, #tpu.memory_space<vmem>> -> memref<50x128xf32, #tpu.memory_space<vmem>>
    %dma_start3A_92 = arith.constant 0 : i32
    %dma_start3A_93 = tpu.memref_slice %arg5[%dma_start3A_86, %dma_start3A_92] : memref<128x50xi32, #tpu.memory_space<vmem>> -> memref<1x50xi32, #tpu.memory_space<vmem>>
    %dma_start3A_94 = tpu.memref_squeeze %dma_start3A_93 : memref<1x50xi32, #tpu.memory_space<vmem>> -> memref<50xi32, #tpu.memory_space<vmem>>
    %dma_start3A_95 = arith.constant 0 : i32
    %dma_start3A_96 = arith.constant 0 : i32
    %dma_start3A_97 = tpu.memref_slice %arg2[%dma_start3A_95, %dma_start3A_96] : memref<100000x128xf32, #tpu.memory_space<hbm>> -> memref<100000x128xf32, #tpu.memory_space<hbm>>
    tpu.enqueue_indirect_dma source(%dma_start3A_97 : memref<100000x128xf32, #tpu.memory_space<hbm>>) target(%dma_start3A_91 : memref<50x128xf32, #tpu.memory_space<vmem>>) offsets(%dma_start3A_94 : memref<50xi32, #tpu.memory_space<vmem>>) semaphore(%arg11 : memref<!tpu.dma_semaphore, #tpu.memory_space<semaphore_mem>>)
    %dma_start3A_98 = arith.constant 8 : i32
    %dma_start3A_99 = arith.constant 0 : i32
    %dma_start3A_100 = arith.constant 0 : i32
    %dma_start3A_101 = arith.constant 0 : i32
    %dma_start3A_102 = tpu.memref_slice %arg8[%dma_start3A_99, %dma_start3A_100, %dma_start3A_101] : memref<4x50x128xf32, #tpu.memory_space<vmem>> -> memref<1x50x128xf32, #tpu.memory_space<vmem>>
    %dma_start3A_103 = tpu.memref_squeeze %dma_start3A_102 : memref<1x50x128xf32, #tpu.memory_space<vmem>> -> memref<50x128xf32, #tpu.memory_space<vmem>>
    %dma_start3A_104 = arith.constant 0 : i32
    %dma_start3A_105 = tpu.memref_slice %arg5[%dma_start3A_98, %dma_start3A_104] : memref<128x50xi32, #tpu.memory_space<vmem>> -> memref<1x50xi32, #tpu.memory_space<vmem>>
    %dma_start3A_106 = tpu.memref_squeeze %dma_start3A_105 : memref<1x50xi32, #tpu.memory_space<vmem>> -> memref<50xi32, #tpu.memory_space<vmem>>
    %dma_start3A_107 = arith.constant 0 : i32
    %dma_start3A_108 = arith.constant 0 : i32
    %dma_start3A_109 = tpu.memref_slice %arg2[%dma_start3A_107, %dma_start3A_108] : memref<100000x128xf32, #tpu.memory_space<hbm>> -> memref<100000x128xf32, #tpu.memory_space<hbm>>
    tpu.enqueue_indirect_dma source(%dma_start3A_109 : memref<100000x128xf32, #tpu.memory_space<hbm>>) target(%dma_start3A_103 : memref<50x128xf32, #tpu.memory_space<vmem>>) offsets(%dma_start3A_106 : memref<50xi32, #tpu.memory_space<vmem>>) semaphore(%arg12 : memref<!tpu.dma_semaphore, #tpu.memory_space<semaphore_mem>>)
    %dma_start3A_110 = arith.constant 9 : i32
    %dma_start3A_111 = arith.constant 1 : i32
    %dma_start3A_112 = arith.constant 0 : i32
    %dma_start3A_113 = arith.constant 0 : i32
    %dma_start3A_114 = tpu.memref_slice %arg8[%dma_start3A_111, %dma_start3A_112, %dma_start3A_113] : memref<4x50x128xf32, #tpu.memory_space<vmem>> -> memref<1x50x128xf32, #tpu.memory_space<vmem>>
    %dma_start3A_115 = tpu.memref_squeeze %dma_start3A_114 : memref<1x50x128xf32, #tpu.memory_space<vmem>> -> memref<50x128xf32, #tpu.memory_space<vmem>>
    %dma_start3A_116 = arith.constant 0 : i32
    %dma_start3A_117 = tpu.memref_slice %arg5[%dma_start3A_110, %dma_start3A_116] : memref<128x50xi32, #tpu.memory_space<vmem>> -> memref<1x50xi32, #tpu.memory_space<vmem>>
    %dma_start3A_118 = tpu.memref_squeeze %dma_start3A_117 : memref<1x50xi32, #tpu.memory_space<vmem>> -> memref<50xi32, #tpu.memory_space<vmem>>
    %dma_start3A_119 = arith.constant 0 : i32
    %dma_start3A_120 = arith.constant 0 : i32
    %dma_start3A_121 = tpu.memref_slice %arg2[%dma_start3A_119, %dma_start3A_120] : memref<100000x128xf32, #tpu.memory_space<hbm>> -> memref<100000x128xf32, #tpu.memory_space<hbm>>
    tpu.enqueue_indirect_dma source(%dma_start3A_121 : memref<100000x128xf32, #tpu.memory_space<hbm>>) target(%dma_start3A_115 : memref<50x128xf32, #tpu.memory_space<vmem>>) offsets(%dma_start3A_118 : memref<50xi32, #tpu.memory_space<vmem>>) semaphore(%arg12 : memref<!tpu.dma_semaphore, #tpu.memory_space<semaphore_mem>>)
    %dma_start3A_122 = arith.constant 10 : i32
    %dma_start3A_123 = arith.constant 2 : i32
    %dma_start3A_124 = arith.constant 0 : i32
    %dma_start3A_125 = arith.constant 0 : i32
    %dma_start3A_126 = tpu.memref_slice %arg8[%dma_start3A_123, %dma_start3A_124, %dma_start3A_125] : memref<4x50x128xf32, #tpu.memory_space<vmem>> -> memref<1x50x128xf32, #tpu.memory_space<vmem>>
    %dma_start3A_127 = tpu.memref_squeeze %dma_start3A_126 : memref<1x50x128xf32, #tpu.memory_space<vmem>> -> memref<50x128xf32, #tpu.memory_space<vmem>>
    %dma_start3A_128 = arith.constant 0 : i32
    %dma_start3A_129 = tpu.memref_slice %arg5[%dma_start3A_122, %dma_start3A_128] : memref<128x50xi32, #tpu.memory_space<vmem>> -> memref<1x50xi32, #tpu.memory_space<vmem>>
    %dma_start3A_130 = tpu.memref_squeeze %dma_start3A_129 : memref<1x50xi32, #tpu.memory_space<vmem>> -> memref<50xi32, #tpu.memory_space<vmem>>
    %dma_start3A_131 = arith.constant 0 : i32
    %dma_start3A_132 = arith.constant 0 : i32
    %dma_start3A_133 = tpu.memref_slice %arg2[%dma_start3A_131, %dma_start3A_132] : memref<100000x128xf32, #tpu.memory_space<hbm>> -> memref<100000x128xf32, #tpu.memory_space<hbm>>
    tpu.enqueue_indirect_dma source(%dma_start3A_133 : memref<100000x128xf32, #tpu.memory_space<hbm>>) target(%dma_start3A_127 : memref<50x128xf32, #tpu.memory_space<vmem>>) offsets(%dma_start3A_130 : memref<50xi32, #tpu.memory_space<vmem>>) semaphore(%arg12 : memref<!tpu.dma_semaphore, #tpu.memory_space<semaphore_mem>>)
    %dma_start3A_134 = arith.constant 11 : i32
    %dma_start3A_135 = arith.constant 3 : i32
    %dma_start3A_136 = arith.constant 0 : i32
    %dma_start3A_137 = arith.constant 0 : i32
    %dma_start3A_138 = tpu.memref_slice %arg8[%dma_start3A_135, %dma_start3A_136, %dma_start3A_137] : memref<4x50x128xf32, #tpu.memory_space<vmem>> -> memref<1x50x128xf32, #tpu.memory_space<vmem>>
    %dma_start3A_139 = tpu.memref_squeeze %dma_start3A_138 : memref<1x50x128xf32, #tpu.memory_space<vmem>> -> memref<50x128xf32, #tpu.memory_space<vmem>>
    %dma_start3A_140 = arith.constant 0 : i32
    %dma_start3A_141 = tpu.memref_slice %arg5[%dma_start3A_134, %dma_start3A_140] : memref<128x50xi32, #tpu.memory_space<vmem>> -> memref<1x50xi32, #tpu.memory_space<vmem>>
    %dma_start3A_142 = tpu.memref_squeeze %dma_start3A_141 : memref<1x50xi32, #tpu.memory_space<vmem>> -> memref<50xi32, #tpu.memory_space<vmem>>
    %dma_start3A_143 = arith.constant 0 : i32
    %dma_start3A_144 = arith.constant 0 : i32
    %dma_start3A_145 = tpu.memref_slice %arg2[%dma_start3A_143, %dma_start3A_144] : memref<100000x128xf32, #tpu.memory_space<hbm>> -> memref<100000x128xf32, #tpu.memory_space<hbm>>
    tpu.enqueue_indirect_dma source(%dma_start3A_145 : memref<100000x128xf32, #tpu.memory_space<hbm>>) target(%dma_start3A_139 : memref<50x128xf32, #tpu.memory_space<vmem>>) offsets(%dma_start3A_142 : memref<50xi32, #tpu.memory_space<vmem>>) semaphore(%arg12 : memref<!tpu.dma_semaphore, #tpu.memory_space<semaphore_mem>>)
    %dma_wait3A = arith.constant 0 : i32
    %dma_wait3A_146 = arith.constant 0 : i32
    %dma_wait3A_147 = arith.constant 0 : i32
    %dma_wait3A_148 = arith.constant 0 : i32
    %dma_wait3A_149 = tpu.memref_slice %arg6[%dma_wait3A_146, %dma_wait3A_147, %dma_wait3A_148] : memref<4x50x128xf32, #tpu.memory_space<vmem>> -> memref<1x50x128xf32, #tpu.memory_space<vmem>>
    %dma_wait3A_150 = tpu.memref_squeeze %dma_wait3A_149 : memref<1x50x128xf32, #tpu.memory_space<vmem>> -> memref<50x128xf32, #tpu.memory_space<vmem>>
    %dma_wait3A_151 = arith.constant 0 : i32
    %dma_wait3A_152 = tpu.memref_slice %arg5[%dma_wait3A, %dma_wait3A_151] : memref<128x50xi32, #tpu.memory_space<vmem>> -> memref<1x50xi32, #tpu.memory_space<vmem>>
    %dma_wait3A_153 = tpu.memref_squeeze %dma_wait3A_152 : memref<1x50xi32, #tpu.memory_space<vmem>> -> memref<50xi32, #tpu.memory_space<vmem>>
    %dma_wait3A_154 = arith.constant 0 : i32
    %dma_wait3A_155 = arith.constant 0 : i32
    %dma_wait3A_156 = tpu.memref_slice %arg2[%dma_wait3A_154, %dma_wait3A_155] : memref<100000x128xf32, #tpu.memory_space<hbm>> -> memref<100000x128xf32, #tpu.memory_space<hbm>>
    tpu.wait_indirect_dma semaphore(%arg10 : memref<!tpu.dma_semaphore, #tpu.memory_space<semaphore_mem>>) src(%dma_wait3A_156 : memref<100000x128xf32, #tpu.memory_space<hbm>>) dst(%dma_wait3A_150 : memref<50x128xf32, #tpu.memory_space<vmem>>)
    %dma_wait3A_157 = arith.constant 1 : i32
    %dma_wait3A_158 = arith.constant 1 : i32
    %dma_wait3A_159 = arith.constant 0 : i32
    %dma_wait3A_160 = arith.constant 0 : i32
    %dma_wait3A_161 = tpu.memref_slice %arg6[%dma_wait3A_158, %dma_wait3A_159, %dma_wait3A_160] : memref<4x50x128xf32, #tpu.memory_space<vmem>> -> memref<1x50x128xf32, #tpu.memory_space<vmem>>
    %dma_wait3A_162 = tpu.memref_squeeze %dma_wait3A_161 : memref<1x50x128xf32, #tpu.memory_space<vmem>> -> memref<50x128xf32, #tpu.memory_space<vmem>>
    %dma_wait3A_163 = arith.constant 0 : i32
    %dma_wait3A_164 = tpu.memref_slice %arg5[%dma_wait3A_157, %dma_wait3A_163] : memref<128x50xi32, #tpu.memory_space<vmem>> -> memref<1x50xi32, #tpu.memory_space<vmem>>
    %dma_wait3A_165 = tpu.memref_squeeze %dma_wait3A_164 : memref<1x50xi32, #tpu.memory_space<vmem>> -> memref<50xi32, #tpu.memory_space<vmem>>
    %dma_wait3A_166 = arith.constant 0 : i32
    %dma_wait3A_167 = arith.constant 0 : i32
    %dma_wait3A_168 = tpu.memref_slice %arg2[%dma_wait3A_166, %dma_wait3A_167] : memref<100000x128xf32, #tpu.memory_space<hbm>> -> memref<100000x128xf32, #tpu.memory_space<hbm>>
    tpu.wait_indirect_dma semaphore(%arg10 : memref<!tpu.dma_semaphore, #tpu.memory_space<semaphore_mem>>) src(%dma_wait3A_168 : memref<100000x128xf32, #tpu.memory_space<hbm>>) dst(%dma_wait3A_162 : memref<50x128xf32, #tpu.memory_space<vmem>>)
    %dma_wait3A_169 = arith.constant 2 : i32
    %dma_wait3A_170 = arith.constant 2 : i32
    %dma_wait3A_171 = arith.constant 0 : i32
    %dma_wait3A_172 = arith.constant 0 : i32
    %dma_wait3A_173 = tpu.memref_slice %arg6[%dma_wait3A_170, %dma_wait3A_171, %dma_wait3A_172] : memref<4x50x128xf32, #tpu.memory_space<vmem>> -> memref<1x50x128xf32, #tpu.memory_space<vmem>>
    %dma_wait3A_174 = tpu.memref_squeeze %dma_wait3A_173 : memref<1x50x128xf32, #tpu.memory_space<vmem>> -> memref<50x128xf32, #tpu.memory_space<vmem>>
    %dma_wait3A_175 = arith.constant 0 : i32
    %dma_wait3A_176 = tpu.memref_slice %arg5[%dma_wait3A_169, %dma_wait3A_175] : memref<128x50xi32, #tpu.memory_space<vmem>> -> memref<1x50xi32, #tpu.memory_space<vmem>>
    %dma_wait3A_177 = tpu.memref_squeeze %dma_wait3A_176 : memref<1x50xi32, #tpu.memory_space<vmem>> -> memref<50xi32, #tpu.memory_space<vmem>>
    %dma_wait3A_178 = arith.constant 0 : i32
    %dma_wait3A_179 = arith.constant 0 : i32
    %dma_wait3A_180 = tpu.memref_slice %arg2[%dma_wait3A_178, %dma_wait3A_179] : memref<100000x128xf32, #tpu.memory_space<hbm>> -> memref<100000x128xf32, #tpu.memory_space<hbm>>
    tpu.wait_indirect_dma semaphore(%arg10 : memref<!tpu.dma_semaphore, #tpu.memory_space<semaphore_mem>>) src(%dma_wait3A_180 : memref<100000x128xf32, #tpu.memory_space<hbm>>) dst(%dma_wait3A_174 : memref<50x128xf32, #tpu.memory_space<vmem>>)
    %dma_wait3A_181 = arith.constant 3 : i32
    %dma_wait3A_182 = arith.constant 3 : i32
    %dma_wait3A_183 = arith.constant 0 : i32
    %dma_wait3A_184 = arith.constant 0 : i32
    %dma_wait3A_185 = tpu.memref_slice %arg6[%dma_wait3A_182, %dma_wait3A_183, %dma_wait3A_184] : memref<4x50x128xf32, #tpu.memory_space<vmem>> -> memref<1x50x128xf32, #tpu.memory_space<vmem>>
    %dma_wait3A_186 = tpu.memref_squeeze %dma_wait3A_185 : memref<1x50x128xf32, #tpu.memory_space<vmem>> -> memref<50x128xf32, #tpu.memory_space<vmem>>
    %dma_wait3A_187 = arith.constant 0 : i32
    %dma_wait3A_188 = tpu.memref_slice %arg5[%dma_wait3A_181, %dma_wait3A_187] : memref<128x50xi32, #tpu.memory_space<vmem>> -> memref<1x50xi32, #tpu.memory_space<vmem>>
    %dma_wait3A_189 = tpu.memref_squeeze %dma_wait3A_188 : memref<1x50xi32, #tpu.memory_space<vmem>> -> memref<50xi32, #tpu.memory_space<vmem>>
    %dma_wait3A_190 = arith.constant 0 : i32
    %dma_wait3A_191 = arith.constant 0 : i32
    %dma_wait3A_192 = tpu.memref_slice %arg2[%dma_wait3A_190, %dma_wait3A_191] : memref<100000x128xf32, #tpu.memory_space<hbm>> -> memref<100000x128xf32, #tpu.memory_space<hbm>>
    tpu.wait_indirect_dma semaphore(%arg10 : memref<!tpu.dma_semaphore, #tpu.memory_space<semaphore_mem>>) src(%dma_wait3A_192 : memref<100000x128xf32, #tpu.memory_space<hbm>>) dst(%dma_wait3A_186 : memref<50x128xf32, #tpu.memory_space<vmem>>)
    %add3A_193 = arith.constant 0 : i32
    %add3A_194 = arith.addi %mul3A_2, %add3A_193 : i32
    %dma_start3A_195 = arith.constant 0 : i32
    %dma_start3A_196 = arith.constant 0 : i32
    %dma_start3A_197 = tpu.memref_slice %arg4[%add3A_194, %dma_start3A_195, %dma_start3A_196] : memref<4096x50x128xf32, #tpu.memory_space<hbm>> -> memref<4x50x128xf32, #tpu.memory_space<hbm>>
    %dma_start3A_198 = arith.constant 0 : i32
    %dma_start3A_199 = arith.constant 0 : i32
    %dma_start3A_200 = tpu.memref_slice %arg4[%add3A_194, %dma_start3A_198, %dma_start3A_199] : memref<4096x50x128xf32, #tpu.memory_space<hbm>> -> memref<4x50x128xf32, #tpu.memory_space<hbm>>
    tpu.enqueue_dma source(%arg6 : memref<4x50x128xf32, #tpu.memory_space<vmem>>) target(%dma_start3A_200 : memref<4x50x128xf32, #tpu.memory_space<hbm>>) target_semaphore(%arg14 : memref<!tpu.dma_semaphore, #tpu.memory_space<semaphore_mem>>)
    %dma_start3A_201 = arith.constant 12 : i32
    %dma_start3A_202 = arith.constant 0 : i32
    %dma_start3A_203 = arith.constant 0 : i32
    %dma_start3A_204 = arith.constant 0 : i32
    %dma_start3A_205 = tpu.memref_slice %arg9[%dma_start3A_202, %dma_start3A_203, %dma_start3A_204] : memref<4x50x128xf32, #tpu.memory_space<vmem>> -> memref<1x50x128xf32, #tpu.memory_space<vmem>>
    %dma_start3A_206 = tpu.memref_squeeze %dma_start3A_205 : memref<1x50x128xf32, #tpu.memory_space<vmem>> -> memref<50x128xf32, #tpu.memory_space<vmem>>
    %dma_start3A_207 = arith.constant 0 : i32
    %dma_start3A_208 = tpu.memref_slice %arg5[%dma_start3A_201, %dma_start3A_207] : memref<128x50xi32, #tpu.memory_space<vmem>> -> memref<1x50xi32, #tpu.memory_space<vmem>>
    %dma_start3A_209 = tpu.memref_squeeze %dma_start3A_208 : memref<1x50xi32, #tpu.memory_space<vmem>> -> memref<50xi32, #tpu.memory_space<vmem>>
    %dma_start3A_210 = arith.constant 0 : i32
    %dma_start3A_211 = arith.constant 0 : i32
    %dma_start3A_212 = tpu.memref_slice %arg2[%dma_start3A_210, %dma_start3A_211] : memref<100000x128xf32, #tpu.memory_space<hbm>> -> memref<100000x128xf32, #tpu.memory_space<hbm>>
    tpu.enqueue_indirect_dma source(%dma_start3A_212 : memref<100000x128xf32, #tpu.memory_space<hbm>>) target(%dma_start3A_206 : memref<50x128xf32, #tpu.memory_space<vmem>>) offsets(%dma_start3A_209 : memref<50xi32, #tpu.memory_space<vmem>>) semaphore(%arg13 : memref<!tpu.dma_semaphore, #tpu.memory_space<semaphore_mem>>)
    %dma_start3A_213 = arith.constant 13 : i32
    %dma_start3A_214 = arith.constant 1 : i32
    %dma_start3A_215 = arith.constant 0 : i32
    %dma_start3A_216 = arith.constant 0 : i32
    %dma_start3A_217 = tpu.memref_slice %arg9[%dma_start3A_214, %dma_start3A_215, %dma_start3A_216] : memref<4x50x128xf32, #tpu.memory_space<vmem>> -> memref<1x50x128xf32, #tpu.memory_space<vmem>>
    %dma_start3A_218 = tpu.memref_squeeze %dma_start3A_217 : memref<1x50x128xf32, #tpu.memory_space<vmem>> -> memref<50x128xf32, #tpu.memory_space<vmem>>
    %dma_start3A_219 = arith.constant 0 : i32
    %dma_start3A_220 = tpu.memref_slice %arg5[%dma_start3A_213, %dma_start3A_219] : memref<128x50xi32, #tpu.memory_space<vmem>> -> memref<1x50xi32, #tpu.memory_space<vmem>>
    %dma_start3A_221 = tpu.memref_squeeze %dma_start3A_220 : memref<1x50xi32, #tpu.memory_space<vmem>> -> memref<50xi32, #tpu.memory_space<vmem>>
    %dma_start3A_222 = arith.constant 0 : i32
    %dma_start3A_223 = arith.constant 0 : i32
    %dma_start3A_224 = tpu.memref_slice %arg2[%dma_start3A_222, %dma_start3A_223] : memref<100000x128xf32, #tpu.memory_space<hbm>> -> memref<100000x128xf32, #tpu.memory_space<hbm>>
    tpu.enqueue_indirect_dma source(%dma_start3A_224 : memref<100000x128xf32, #tpu.memory_space<hbm>>) target(%dma_start3A_218 : memref<50x128xf32, #tpu.memory_space<vmem>>) offsets(%dma_start3A_221 : memref<50xi32, #tpu.memory_space<vmem>>) semaphore(%arg13 : memref<!tpu.dma_semaphore, #tpu.memory_space<semaphore_mem>>)
    %dma_start3A_225 = arith.constant 14 : i32
    %dma_start3A_226 = arith.constant 2 : i32
    %dma_start3A_227 = arith.constant 0 : i32
    %dma_start3A_228 = arith.constant 0 : i32
    %dma_start3A_229 = tpu.memref_slice %arg9[%dma_start3A_226, %dma_start3A_227, %dma_start3A_228] : memref<4x50x128xf32, #tpu.memory_space<vmem>> -> memref<1x50x128xf32, #tpu.memory_space<vmem>>
    %dma_start3A_230 = tpu.memref_squeeze %dma_start3A_229 : memref<1x50x128xf32, #tpu.memory_space<vmem>> -> memref<50x128xf32, #tpu.memory_space<vmem>>
    %dma_start3A_231 = arith.constant 0 : i32
    %dma_start3A_232 = tpu.memref_slice %arg5[%dma_start3A_225, %dma_start3A_231] : memref<128x50xi32, #tpu.memory_space<vmem>> -> memref<1x50xi32, #tpu.memory_space<vmem>>
    %dma_start3A_233 = tpu.memref_squeeze %dma_start3A_232 : memref<1x50xi32, #tpu.memory_space<vmem>> -> memref<50xi32, #tpu.memory_space<vmem>>
    %dma_start3A_234 = arith.constant 0 : i32
    %dma_start3A_235 = arith.constant 0 : i32
    %dma_start3A_236 = tpu.memref_slice %arg2[%dma_start3A_234, %dma_start3A_235] : memref<100000x128xf32, #tpu.memory_space<hbm>> -> memref<100000x128xf32, #tpu.memory_space<hbm>>
    tpu.enqueue_indirect_dma source(%dma_start3A_236 : memref<100000x128xf32, #tpu.memory_space<hbm>>) target(%dma_start3A_230 : memref<50x128xf32, #tpu.memory_space<vmem>>) offsets(%dma_start3A_233 : memref<50xi32, #tpu.memory_space<vmem>>) semaphore(%arg13 : memref<!tpu.dma_semaphore, #tpu.memory_space<semaphore_mem>>)
    %dma_start3A_237 = arith.constant 15 : i32
    %dma_start3A_238 = arith.constant 3 : i32
    %dma_start3A_239 = arith.constant 0 : i32
    %dma_start3A_240 = arith.constant 0 : i32
    %dma_start3A_241 = tpu.memref_slice %arg9[%dma_start3A_238, %dma_start3A_239, %dma_start3A_240] : memref<4x50x128xf32, #tpu.memory_space<vmem>> -> memref<1x50x128xf32, #tpu.memory_space<vmem>>
    %dma_start3A_242 = tpu.memref_squeeze %dma_start3A_241 : memref<1x50x128xf32, #tpu.memory_space<vmem>> -> memref<50x128xf32, #tpu.memory_space<vmem>>
    %dma_start3A_243 = arith.constant 0 : i32
    %dma_start3A_244 = tpu.memref_slice %arg5[%dma_start3A_237, %dma_start3A_243] : memref<128x50xi32, #tpu.memory_space<vmem>> -> memref<1x50xi32, #tpu.memory_space<vmem>>
    %dma_start3A_245 = tpu.memref_squeeze %dma_start3A_244 : memref<1x50xi32, #tpu.memory_space<vmem>> -> memref<50xi32, #tpu.memory_space<vmem>>
    %dma_start3A_246 = arith.constant 0 : i32
    %dma_start3A_247 = arith.constant 0 : i32
    %dma_start3A_248 = tpu.memref_slice %arg2[%dma_start3A_246, %dma_start3A_247] : memref<100000x128xf32, #tpu.memory_space<hbm>> -> memref<100000x128xf32, #tpu.memory_space<hbm>>
    tpu.enqueue_indirect_dma source(%dma_start3A_248 : memref<100000x128xf32, #tpu.memory_space<hbm>>) target(%dma_start3A_242 : memref<50x128xf32, #tpu.memory_space<vmem>>) offsets(%dma_start3A_245 : memref<50xi32, #tpu.memory_space<vmem>>) semaphore(%arg13 : memref<!tpu.dma_semaphore, #tpu.memory_space<semaphore_mem>>)
    %dma_wait3A_249 = arith.constant 4 : i32
    %dma_wait3A_250 = arith.constant 0 : i32
    %dma_wait3A_251 = arith.constant 0 : i32
    %dma_wait3A_252 = arith.constant 0 : i32
    %dma_wait3A_253 = tpu.memref_slice %arg7[%dma_wait3A_250, %dma_wait3A_251, %dma_wait3A_252] : memref<4x50x128xf32, #tpu.memory_space<vmem>> -> memref<1x50x128xf32, #tpu.memory_space<vmem>>
    %dma_wait3A_254 = tpu.memref_squeeze %dma_wait3A_253 : memref<1x50x128xf32, #tpu.memory_space<vmem>> -> memref<50x128xf32, #tpu.memory_space<vmem>>
    %dma_wait3A_255 = arith.constant 0 : i32
    %dma_wait3A_256 = tpu.memref_slice %arg5[%dma_wait3A_249, %dma_wait3A_255] : memref<128x50xi32, #tpu.memory_space<vmem>> -> memref<1x50xi32, #tpu.memory_space<vmem>>
    %dma_wait3A_257 = tpu.memref_squeeze %dma_wait3A_256 : memref<1x50xi32, #tpu.memory_space<vmem>> -> memref<50xi32, #tpu.memory_space<vmem>>
    %dma_wait3A_258 = arith.constant 0 : i32
    %dma_wait3A_259 = arith.constant 0 : i32
    %dma_wait3A_260 = tpu.memref_slice %arg2[%dma_wait3A_258, %dma_wait3A_259] : memref<100000x128xf32, #tpu.memory_space<hbm>> -> memref<100000x128xf32, #tpu.memory_space<hbm>>
    tpu.wait_indirect_dma semaphore(%arg11 : memref<!tpu.dma_semaphore, #tpu.memory_space<semaphore_mem>>) src(%dma_wait3A_260 : memref<100000x128xf32, #tpu.memory_space<hbm>>) dst(%dma_wait3A_254 : memref<50x128xf32, #tpu.memory_space<vmem>>)
    %dma_wait3A_261 = arith.constant 5 : i32
    %dma_wait3A_262 = arith.constant 1 : i32
    %dma_wait3A_263 = arith.constant 0 : i32
    %dma_wait3A_264 = arith.constant 0 : i32
    %dma_wait3A_265 = tpu.memref_slice %arg7[%dma_wait3A_262, %dma_wait3A_263, %dma_wait3A_264] : memref<4x50x128xf32, #tpu.memory_space<vmem>> -> memref<1x50x128xf32, #tpu.memory_space<vmem>>
    %dma_wait3A_266 = tpu.memref_squeeze %dma_wait3A_265 : memref<1x50x128xf32, #tpu.memory_space<vmem>> -> memref<50x128xf32, #tpu.memory_space<vmem>>
    %dma_wait3A_267 = arith.constant 0 : i32
    %dma_wait3A_268 = tpu.memref_slice %arg5[%dma_wait3A_261, %dma_wait3A_267] : memref<128x50xi32, #tpu.memory_space<vmem>> -> memref<1x50xi32, #tpu.memory_space<vmem>>
    %dma_wait3A_269 = tpu.memref_squeeze %dma_wait3A_268 : memref<1x50xi32, #tpu.memory_space<vmem>> -> memref<50xi32, #tpu.memory_space<vmem>>
    %dma_wait3A_270 = arith.constant 0 : i32
    %dma_wait3A_271 = arith.constant 0 : i32
    %dma_wait3A_272 = tpu.memref_slice %arg2[%dma_wait3A_270, %dma_wait3A_271] : memref<100000x128xf32, #tpu.memory_space<hbm>> -> memref<100000x128xf32, #tpu.memory_space<hbm>>
    tpu.wait_indirect_dma semaphore(%arg11 : memref<!tpu.dma_semaphore, #tpu.memory_space<semaphore_mem>>) src(%dma_wait3A_272 : memref<100000x128xf32, #tpu.memory_space<hbm>>) dst(%dma_wait3A_266 : memref<50x128xf32, #tpu.memory_space<vmem>>)
    %dma_wait3A_273 = arith.constant 6 : i32
    %dma_wait3A_274 = arith.constant 2 : i32
    %dma_wait3A_275 = arith.constant 0 : i32
    %dma_wait3A_276 = arith.constant 0 : i32
    %dma_wait3A_277 = tpu.memref_slice %arg7[%dma_wait3A_274, %dma_wait3A_275, %dma_wait3A_276] : memref<4x50x128xf32, #tpu.memory_space<vmem>> -> memref<1x50x128xf32, #tpu.memory_space<vmem>>
    %dma_wait3A_278 = tpu.memref_squeeze %dma_wait3A_277 : memref<1x50x128xf32, #tpu.memory_space<vmem>> -> memref<50x128xf32, #tpu.memory_space<vmem>>
    %dma_wait3A_279 = arith.constant 0 : i32
    %dma_wait3A_280 = tpu.memref_slice %arg5[%dma_wait3A_273, %dma_wait3A_279] : memref<128x50xi32, #tpu.memory_space<vmem>> -> memref<1x50xi32, #tpu.memory_space<vmem>>
    %dma_wait3A_281 = tpu.memref_squeeze %dma_wait3A_280 : memref<1x50xi32, #tpu.memory_space<vmem>> -> memref<50xi32, #tpu.memory_space<vmem>>
    %dma_wait3A_282 = arith.constant 0 : i32
    %dma_wait3A_283 = arith.constant 0 : i32
    %dma_wait3A_284 = tpu.memref_slice %arg2[%dma_wait3A_282, %dma_wait3A_283] : memref<100000x128xf32, #tpu.memory_space<hbm>> -> memref<100000x128xf32, #tpu.memory_space<hbm>>
    tpu.wait_indirect_dma semaphore(%arg11 : memref<!tpu.dma_semaphore, #tpu.memory_space<semaphore_mem>>) src(%dma_wait3A_284 : memref<100000x128xf32, #tpu.memory_space<hbm>>) dst(%dma_wait3A_278 : memref<50x128xf32, #tpu.memory_space<vmem>>)
    %dma_wait3A_285 = arith.constant 7 : i32
    %dma_wait3A_286 = arith.constant 3 : i32
    %dma_wait3A_287 = arith.constant 0 : i32
    %dma_wait3A_288 = arith.constant 0 : i32
    %dma_wait3A_289 = tpu.memref_slice %arg7[%dma_wait3A_286, %dma_wait3A_287, %dma_wait3A_288] : memref<4x50x128xf32, #tpu.memory_space<vmem>> -> memref<1x50x128xf32, #tpu.memory_space<vmem>>
    %dma_wait3A_290 = tpu.memref_squeeze %dma_wait3A_289 : memref<1x50x128xf32, #tpu.memory_space<vmem>> -> memref<50x128xf32, #tpu.memory_space<vmem>>
    %dma_wait3A_291 = arith.constant 0 : i32
    %dma_wait3A_292 = tpu.memref_slice %arg5[%dma_wait3A_285, %dma_wait3A_291] : memref<128x50xi32, #tpu.memory_space<vmem>> -> memref<1x50xi32, #tpu.memory_space<vmem>>
    %dma_wait3A_293 = tpu.memref_squeeze %dma_wait3A_292 : memref<1x50xi32, #tpu.memory_space<vmem>> -> memref<50xi32, #tpu.memory_space<vmem>>
    %dma_wait3A_294 = arith.constant 0 : i32
    %dma_wait3A_295 = arith.constant 0 : i32
    %dma_wait3A_296 = tpu.memref_slice %arg2[%dma_wait3A_294, %dma_wait3A_295] : memref<100000x128xf32, #tpu.memory_space<hbm>> -> memref<100000x128xf32, #tpu.memory_space<hbm>>
    tpu.wait_indirect_dma semaphore(%arg11 : memref<!tpu.dma_semaphore, #tpu.memory_space<semaphore_mem>>) src(%dma_wait3A_296 : memref<100000x128xf32, #tpu.memory_space<hbm>>) dst(%dma_wait3A_290 : memref<50x128xf32, #tpu.memory_space<vmem>>)
    %add3A_297 = arith.constant 4 : i32
    %add3A_298 = arith.addi %mul3A_2, %add3A_297 : i32
    %dma_start3A_299 = arith.constant 0 : i32
    %dma_start3A_300 = arith.constant 0 : i32
    %dma_start3A_301 = tpu.memref_slice %arg4[%add3A_298, %dma_start3A_299, %dma_start3A_300] : memref<4096x50x128xf32, #tpu.memory_space<hbm>> -> memref<4x50x128xf32, #tpu.memory_space<hbm>>
    %dma_start3A_302 = arith.constant 0 : i32
    %dma_start3A_303 = arith.constant 0 : i32
    %dma_start3A_304 = tpu.memref_slice %arg4[%add3A_298, %dma_start3A_302, %dma_start3A_303] : memref<4096x50x128xf32, #tpu.memory_space<hbm>> -> memref<4x50x128xf32, #tpu.memory_space<hbm>>
    tpu.enqueue_dma source(%arg7 : memref<4x50x128xf32, #tpu.memory_space<vmem>>) target(%dma_start3A_304 : memref<4x50x128xf32, #tpu.memory_space<hbm>>) target_semaphore(%arg15 : memref<!tpu.dma_semaphore, #tpu.memory_space<semaphore_mem>>)
    %scan3A = arith.constant 1 : i32
    %scan3A_305 = arith.constant 7 : i32
    %scan3A_306 = arith.addi %scan3A, %scan3A_305 : i32
    %scan3A_307 = arith.constant 1 : i32
    scf.for %scan3A_453 = %scan3A to %scan3A_306 step %scan3A_307  : i32 {
      %mul3A_454 = arith.constant 4 : i32
      %mul3A_455 = arith.muli %scan3A_453, %mul3A_454 : i32
      %add3A_456 = arith.constant 0 : i32
      %add3A_457 = arith.addi %mul3A_455, %add3A_456 : i32
      %sub3A = arith.constant 4 : i32
      %sub3A_458 = arith.subi %add3A_457, %sub3A : i32
      %mul3A_459 = arith.constant 4 : i32
      %mul3A_460 = arith.muli %sub3A_458, %mul3A_459 : i32
      %add3A_461 = arith.addi %mul3A_2, %mul3A_460 : i32
      %dma_wait3A_462 = arith.constant 0 : i32
      %dma_wait3A_463 = arith.constant 0 : i32
      %dma_wait3A_464 = tpu.memref_slice %arg4[%add3A_461, %dma_wait3A_462, %dma_wait3A_463] : memref<4096x50x128xf32, #tpu.memory_space<hbm>> -> memref<4x50x128xf32, #tpu.memory_space<hbm>>
      %dma_wait3A_465 = arith.constant 0 : i32
      %dma_wait3A_466 = arith.constant 0 : i32
      %dma_wait3A_467 = tpu.memref_slice %arg4[%add3A_461, %dma_wait3A_465, %dma_wait3A_466] : memref<4096x50x128xf32, #tpu.memory_space<hbm>> -> memref<4x50x128xf32, #tpu.memory_space<hbm>>
      tpu.wait_dma2 semaphore(%arg14 : memref<!tpu.dma_semaphore, #tpu.memory_space<semaphore_mem>>) src(%arg6 : memref<4x50x128xf32, #tpu.memory_space<vmem>>) dst(%dma_wait3A_467 : memref<4x50x128xf32, #tpu.memory_space<hbm>>)
      %mul3A_468 = arith.constant 4 : i32
      %mul3A_469 = arith.muli %add3A_457, %mul3A_468 : i32
      %add3A_470 = arith.constant 0 : i32
      %add3A_471 = arith.addi %mul3A_469, %add3A_470 : i32
      %dma_start3A_472 = arith.constant 0 : i32
      %dma_start3A_473 = arith.constant 0 : i32
      %dma_start3A_474 = arith.constant 0 : i32
      %dma_start3A_475 = tpu.memref_slice %arg6[%dma_start3A_472, %dma_start3A_473, %dma_start3A_474] : memref<4x50x128xf32, #tpu.memory_space<vmem>> -> memref<1x50x128xf32, #tpu.memory_space<vmem>>
      %dma_start3A_476 = tpu.memref_squeeze %dma_start3A_475 : memref<1x50x128xf32, #tpu.memory_space<vmem>> -> memref<50x128xf32, #tpu.memory_space<vmem>>
      %dma_start3A_477 = arith.constant 0 : i32
      %dma_start3A_478 = tpu.memref_slice %arg5[%add3A_471, %dma_start3A_477] : memref<128x50xi32, #tpu.memory_space<vmem>> -> memref<1x50xi32, #tpu.memory_space<vmem>>
      %dma_start3A_479 = tpu.memref_squeeze %dma_start3A_478 : memref<1x50xi32, #tpu.memory_space<vmem>> -> memref<50xi32, #tpu.memory_space<vmem>>
      %dma_start3A_480 = arith.constant 0 : i32
      %dma_start3A_481 = arith.constant 0 : i32
      %dma_start3A_482 = tpu.memref_slice %arg2[%dma_start3A_480, %dma_start3A_481] : memref<100000x128xf32, #tpu.memory_space<hbm>> -> memref<100000x128xf32, #tpu.memory_space<hbm>>
      tpu.enqueue_indirect_dma source(%dma_start3A_482 : memref<100000x128xf32, #tpu.memory_space<hbm>>) target(%dma_start3A_476 : memref<50x128xf32, #tpu.memory_space<vmem>>) offsets(%dma_start3A_479 : memref<50xi32, #tpu.memory_space<vmem>>) semaphore(%arg10 : memref<!tpu.dma_semaphore, #tpu.memory_space<semaphore_mem>>)
      %mul3A_483 = arith.constant 4 : i32
      %mul3A_484 = arith.muli %add3A_457, %mul3A_483 : i32
      %add3A_485 = arith.constant 1 : i32
      %add3A_486 = arith.addi %mul3A_484, %add3A_485 : i32
      %dma_start3A_487 = arith.constant 1 : i32
      %dma_start3A_488 = arith.constant 0 : i32
      %dma_start3A_489 = arith.constant 0 : i32
      %dma_start3A_490 = tpu.memref_slice %arg6[%dma_start3A_487, %dma_start3A_488, %dma_start3A_489] : memref<4x50x128xf32, #tpu.memory_space<vmem>> -> memref<1x50x128xf32, #tpu.memory_space<vmem>>
      %dma_start3A_491 = tpu.memref_squeeze %dma_start3A_490 : memref<1x50x128xf32, #tpu.memory_space<vmem>> -> memref<50x128xf32, #tpu.memory_space<vmem>>
      %dma_start3A_492 = arith.constant 0 : i32
      %dma_start3A_493 = tpu.memref_slice %arg5[%add3A_486, %dma_start3A_492] : memref<128x50xi32, #tpu.memory_space<vmem>> -> memref<1x50xi32, #tpu.memory_space<vmem>>
      %dma_start3A_494 = tpu.memref_squeeze %dma_start3A_493 : memref<1x50xi32, #tpu.memory_space<vmem>> -> memref<50xi32, #tpu.memory_space<vmem>>
      %dma_start3A_495 = arith.constant 0 : i32
      %dma_start3A_496 = arith.constant 0 : i32
      %dma_start3A_497 = tpu.memref_slice %arg2[%dma_start3A_495, %dma_start3A_496] : memref<100000x128xf32, #tpu.memory_space<hbm>> -> memref<100000x128xf32, #tpu.memory_space<hbm>>
      tpu.enqueue_indirect_dma source(%dma_start3A_497 : memref<100000x128xf32, #tpu.memory_space<hbm>>) target(%dma_start3A_491 : memref<50x128xf32, #tpu.memory_space<vmem>>) offsets(%dma_start3A_494 : memref<50xi32, #tpu.memory_space<vmem>>) semaphore(%arg10 : memref<!tpu.dma_semaphore, #tpu.memory_space<semaphore_mem>>)
      %mul3A_498 = arith.constant 4 : i32
      %mul3A_499 = arith.muli %add3A_457, %mul3A_498 : i32
      %add3A_500 = arith.constant 2 : i32
      %add3A_501 = arith.addi %mul3A_499, %add3A_500 : i32
      %dma_start3A_502 = arith.constant 2 : i32
      %dma_start3A_503 = arith.constant 0 : i32
      %dma_start3A_504 = arith.constant 0 : i32
      %dma_start3A_505 = tpu.memref_slice %arg6[%dma_start3A_502, %dma_start3A_503, %dma_start3A_504] : memref<4x50x128xf32, #tpu.memory_space<vmem>> -> memref<1x50x128xf32, #tpu.memory_space<vmem>>
      %dma_start3A_506 = tpu.memref_squeeze %dma_start3A_505 : memref<1x50x128xf32, #tpu.memory_space<vmem>> -> memref<50x128xf32, #tpu.memory_space<vmem>>
      %dma_start3A_507 = arith.constant 0 : i32
      %dma_start3A_508 = tpu.memref_slice %arg5[%add3A_501, %dma_start3A_507] : memref<128x50xi32, #tpu.memory_space<vmem>> -> memref<1x50xi32, #tpu.memory_space<vmem>>
      %dma_start3A_509 = tpu.memref_squeeze %dma_start3A_508 : memref<1x50xi32, #tpu.memory_space<vmem>> -> memref<50xi32, #tpu.memory_space<vmem>>
      %dma_start3A_510 = arith.constant 0 : i32
      %dma_start3A_511 = arith.constant 0 : i32
      %dma_start3A_512 = tpu.memref_slice %arg2[%dma_start3A_510, %dma_start3A_511] : memref<100000x128xf32, #tpu.memory_space<hbm>> -> memref<100000x128xf32, #tpu.memory_space<hbm>>
      tpu.enqueue_indirect_dma source(%dma_start3A_512 : memref<100000x128xf32, #tpu.memory_space<hbm>>) target(%dma_start3A_506 : memref<50x128xf32, #tpu.memory_space<vmem>>) offsets(%dma_start3A_509 : memref<50xi32, #tpu.memory_space<vmem>>) semaphore(%arg10 : memref<!tpu.dma_semaphore, #tpu.memory_space<semaphore_mem>>)
      %mul3A_513 = arith.constant 4 : i32
      %mul3A_514 = arith.muli %add3A_457, %mul3A_513 : i32
      %add3A_515 = arith.constant 3 : i32
      %add3A_516 = arith.addi %mul3A_514, %add3A_515 : i32
      %dma_start3A_517 = arith.constant 3 : i32
      %dma_start3A_518 = arith.constant 0 : i32
      %dma_start3A_519 = arith.constant 0 : i32
      %dma_start3A_520 = tpu.memref_slice %arg6[%dma_start3A_517, %dma_start3A_518, %dma_start3A_519] : memref<4x50x128xf32, #tpu.memory_space<vmem>> -> memref<1x50x128xf32, #tpu.memory_space<vmem>>
      %dma_start3A_521 = tpu.memref_squeeze %dma_start3A_520 : memref<1x50x128xf32, #tpu.memory_space<vmem>> -> memref<50x128xf32, #tpu.memory_space<vmem>>
      %dma_start3A_522 = arith.constant 0 : i32
      %dma_start3A_523 = tpu.memref_slice %arg5[%add3A_516, %dma_start3A_522] : memref<128x50xi32, #tpu.memory_space<vmem>> -> memref<1x50xi32, #tpu.memory_space<vmem>>
      %dma_start3A_524 = tpu.memref_squeeze %dma_start3A_523 : memref<1x50xi32, #tpu.memory_space<vmem>> -> memref<50xi32, #tpu.memory_space<vmem>>
      %dma_start3A_525 = arith.constant 0 : i32
      %dma_start3A_526 = arith.constant 0 : i32
      %dma_start3A_527 = tpu.memref_slice %arg2[%dma_start3A_525, %dma_start3A_526] : memref<100000x128xf32, #tpu.memory_space<hbm>> -> memref<100000x128xf32, #tpu.memory_space<hbm>>
      tpu.enqueue_indirect_dma source(%dma_start3A_527 : memref<100000x128xf32, #tpu.memory_space<hbm>>) target(%dma_start3A_521 : memref<50x128xf32, #tpu.memory_space<vmem>>) offsets(%dma_start3A_524 : memref<50xi32, #tpu.memory_space<vmem>>) semaphore(%arg10 : memref<!tpu.dma_semaphore, #tpu.memory_space<semaphore_mem>>)
      %sub3A_528 = arith.constant 2 : i32
      %sub3A_529 = arith.subi %add3A_457, %sub3A_528 : i32
      %mul3A_530 = arith.constant 4 : i32
      %mul3A_531 = arith.muli %sub3A_529, %mul3A_530 : i32
      %add3A_532 = arith.constant 0 : i32
      %add3A_533 = arith.addi %mul3A_531, %add3A_532 : i32
      %dma_wait3A_534 = arith.constant 0 : i32
      %dma_wait3A_535 = arith.constant 0 : i32
      %dma_wait3A_536 = arith.constant 0 : i32
      %dma_wait3A_537 = tpu.memref_slice %arg8[%dma_wait3A_534, %dma_wait3A_535, %dma_wait3A_536] : memref<4x50x128xf32, #tpu.memory_space<vmem>> -> memref<1x50x128xf32, #tpu.memory_space<vmem>>
      %dma_wait3A_538 = tpu.memref_squeeze %dma_wait3A_537 : memref<1x50x128xf32, #tpu.memory_space<vmem>> -> memref<50x128xf32, #tpu.memory_space<vmem>>
      %dma_wait3A_539 = arith.constant 0 : i32
      %dma_wait3A_540 = tpu.memref_slice %arg5[%add3A_533, %dma_wait3A_539] : memref<128x50xi32, #tpu.memory_space<vmem>> -> memref<1x50xi32, #tpu.memory_space<vmem>>
      %dma_wait3A_541 = tpu.memref_squeeze %dma_wait3A_540 : memref<1x50xi32, #tpu.memory_space<vmem>> -> memref<50xi32, #tpu.memory_space<vmem>>
      %dma_wait3A_542 = arith.constant 0 : i32
      %dma_wait3A_543 = arith.constant 0 : i32
      %dma_wait3A_544 = tpu.memref_slice %arg2[%dma_wait3A_542, %dma_wait3A_543] : memref<100000x128xf32, #tpu.memory_space<hbm>> -> memref<100000x128xf32, #tpu.memory_space<hbm>>
      tpu.wait_indirect_dma semaphore(%arg12 : memref<!tpu.dma_semaphore, #tpu.memory_space<semaphore_mem>>) src(%dma_wait3A_544 : memref<100000x128xf32, #tpu.memory_space<hbm>>) dst(%dma_wait3A_538 : memref<50x128xf32, #tpu.memory_space<vmem>>)
      %mul3A_545 = arith.constant 4 : i32
      %mul3A_546 = arith.muli %sub3A_529, %mul3A_545 : i32
      %add3A_547 = arith.constant 1 : i32
      %add3A_548 = arith.addi %mul3A_546, %add3A_547 : i32
      %dma_wait3A_549 = arith.constant 1 : i32
      %dma_wait3A_550 = arith.constant 0 : i32
      %dma_wait3A_551 = arith.constant 0 : i32
      %dma_wait3A_552 = tpu.memref_slice %arg8[%dma_wait3A_549, %dma_wait3A_550, %dma_wait3A_551] : memref<4x50x128xf32, #tpu.memory_space<vmem>> -> memref<1x50x128xf32, #tpu.memory_space<vmem>>
      %dma_wait3A_553 = tpu.memref_squeeze %dma_wait3A_552 : memref<1x50x128xf32, #tpu.memory_space<vmem>> -> memref<50x128xf32, #tpu.memory_space<vmem>>
      %dma_wait3A_554 = arith.constant 0 : i32
      %dma_wait3A_555 = tpu.memref_slice %arg5[%add3A_548, %dma_wait3A_554] : memref<128x50xi32, #tpu.memory_space<vmem>> -> memref<1x50xi32, #tpu.memory_space<vmem>>
      %dma_wait3A_556 = tpu.memref_squeeze %dma_wait3A_555 : memref<1x50xi32, #tpu.memory_space<vmem>> -> memref<50xi32, #tpu.memory_space<vmem>>
      %dma_wait3A_557 = arith.constant 0 : i32
      %dma_wait3A_558 = arith.constant 0 : i32
      %dma_wait3A_559 = tpu.memref_slice %arg2[%dma_wait3A_557, %dma_wait3A_558] : memref<100000x128xf32, #tpu.memory_space<hbm>> -> memref<100000x128xf32, #tpu.memory_space<hbm>>
      tpu.wait_indirect_dma semaphore(%arg12 : memref<!tpu.dma_semaphore, #tpu.memory_space<semaphore_mem>>) src(%dma_wait3A_559 : memref<100000x128xf32, #tpu.memory_space<hbm>>) dst(%dma_wait3A_553 : memref<50x128xf32, #tpu.memory_space<vmem>>)
      %mul3A_560 = arith.constant 4 : i32
      %mul3A_561 = arith.muli %sub3A_529, %mul3A_560 : i32
      %add3A_562 = arith.constant 2 : i32
      %add3A_563 = arith.addi %mul3A_561, %add3A_562 : i32
      %dma_wait3A_564 = arith.constant 2 : i32
      %dma_wait3A_565 = arith.constant 0 : i32
      %dma_wait3A_566 = arith.constant 0 : i32
      %dma_wait3A_567 = tpu.memref_slice %arg8[%dma_wait3A_564, %dma_wait3A_565, %dma_wait3A_566] : memref<4x50x128xf32, #tpu.memory_space<vmem>> -> memref<1x50x128xf32, #tpu.memory_space<vmem>>
      %dma_wait3A_568 = tpu.memref_squeeze %dma_wait3A_567 : memref<1x50x128xf32, #tpu.memory_space<vmem>> -> memref<50x128xf32, #tpu.memory_space<vmem>>
      %dma_wait3A_569 = arith.constant 0 : i32
      %dma_wait3A_570 = tpu.memref_slice %arg5[%add3A_563, %dma_wait3A_569] : memref<128x50xi32, #tpu.memory_space<vmem>> -> memref<1x50xi32, #tpu.memory_space<vmem>>
      %dma_wait3A_571 = tpu.memref_squeeze %dma_wait3A_570 : memref<1x50xi32, #tpu.memory_space<vmem>> -> memref<50xi32, #tpu.memory_space<vmem>>
      %dma_wait3A_572 = arith.constant 0 : i32
      %dma_wait3A_573 = arith.constant 0 : i32
      %dma_wait3A_574 = tpu.memref_slice %arg2[%dma_wait3A_572, %dma_wait3A_573] : memref<100000x128xf32, #tpu.memory_space<hbm>> -> memref<100000x128xf32, #tpu.memory_space<hbm>>
      tpu.wait_indirect_dma semaphore(%arg12 : memref<!tpu.dma_semaphore, #tpu.memory_space<semaphore_mem>>) src(%dma_wait3A_574 : memref<100000x128xf32, #tpu.memory_space<hbm>>) dst(%dma_wait3A_568 : memref<50x128xf32, #tpu.memory_space<vmem>>)
      %mul3A_575 = arith.constant 4 : i32
      %mul3A_576 = arith.muli %sub3A_529, %mul3A_575 : i32
      %add3A_577 = arith.constant 3 : i32
      %add3A_578 = arith.addi %mul3A_576, %add3A_577 : i32
      %dma_wait3A_579 = arith.constant 3 : i32
      %dma_wait3A_580 = arith.constant 0 : i32
      %dma_wait3A_581 = arith.constant 0 : i32
      %dma_wait3A_582 = tpu.memref_slice %arg8[%dma_wait3A_579, %dma_wait3A_580, %dma_wait3A_581] : memref<4x50x128xf32, #tpu.memory_space<vmem>> -> memref<1x50x128xf32, #tpu.memory_space<vmem>>
      %dma_wait3A_583 = tpu.memref_squeeze %dma_wait3A_582 : memref<1x50x128xf32, #tpu.memory_space<vmem>> -> memref<50x128xf32, #tpu.memory_space<vmem>>
      %dma_wait3A_584 = arith.constant 0 : i32
      %dma_wait3A_585 = tpu.memref_slice %arg5[%add3A_578, %dma_wait3A_584] : memref<128x50xi32, #tpu.memory_space<vmem>> -> memref<1x50xi32, #tpu.memory_space<vmem>>
      %dma_wait3A_586 = tpu.memref_squeeze %dma_wait3A_585 : memref<1x50xi32, #tpu.memory_space<vmem>> -> memref<50xi32, #tpu.memory_space<vmem>>
      %dma_wait3A_587 = arith.constant 0 : i32
      %dma_wait3A_588 = arith.constant 0 : i32
      %dma_wait3A_589 = tpu.memref_slice %arg2[%dma_wait3A_587, %dma_wait3A_588] : memref<100000x128xf32, #tpu.memory_space<hbm>> -> memref<100000x128xf32, #tpu.memory_space<hbm>>
      tpu.wait_indirect_dma semaphore(%arg12 : memref<!tpu.dma_semaphore, #tpu.memory_space<semaphore_mem>>) src(%dma_wait3A_589 : memref<100000x128xf32, #tpu.memory_space<hbm>>) dst(%dma_wait3A_583 : memref<50x128xf32, #tpu.memory_space<vmem>>)
      %sub3A_590 = arith.constant 2 : i32
      %sub3A_591 = arith.subi %add3A_457, %sub3A_590 : i32
      %mul3A_592 = arith.constant 4 : i32
      %mul3A_593 = arith.muli %sub3A_591, %mul3A_592 : i32
      %add3A_594 = arith.addi %mul3A_2, %mul3A_593 : i32
      %dma_start3A_595 = arith.constant 0 : i32
      %dma_start3A_596 = arith.constant 0 : i32
      %dma_start3A_597 = tpu.memref_slice %arg4[%add3A_594, %dma_start3A_595, %dma_start3A_596] : memref<4096x50x128xf32, #tpu.memory_space<hbm>> -> memref<4x50x128xf32, #tpu.memory_space<hbm>>
      %dma_start3A_598 = arith.constant 0 : i32
      %dma_start3A_599 = arith.constant 0 : i32
      %dma_start3A_600 = tpu.memref_slice %arg4[%add3A_594, %dma_start3A_598, %dma_start3A_599] : memref<4096x50x128xf32, #tpu.memory_space<hbm>> -> memref<4x50x128xf32, #tpu.memory_space<hbm>>
      tpu.enqueue_dma source(%arg8 : memref<4x50x128xf32, #tpu.memory_space<vmem>>) target(%dma_start3A_600 : memref<4x50x128xf32, #tpu.memory_space<hbm>>) target_semaphore(%arg16 : memref<!tpu.dma_semaphore, #tpu.memory_space<semaphore_mem>>)
      %mul3A_601 = arith.constant 4 : i32
      %mul3A_602 = arith.muli %scan3A_453, %mul3A_601 : i32
      %add3A_603 = arith.constant 1 : i32
      %add3A_604 = arith.addi %mul3A_602, %add3A_603 : i32
      %sub3A_605 = arith.constant 4 : i32
      %sub3A_606 = arith.subi %add3A_604, %sub3A_605 : i32
      %mul3A_607 = arith.constant 4 : i32
      %mul3A_608 = arith.muli %sub3A_606, %mul3A_607 : i32
      %add3A_609 = arith.addi %mul3A_2, %mul3A_608 : i32
      %dma_wait3A_610 = arith.constant 0 : i32
      %dma_wait3A_611 = arith.constant 0 : i32
      %dma_wait3A_612 = tpu.memref_slice %arg4[%add3A_609, %dma_wait3A_610, %dma_wait3A_611] : memref<4096x50x128xf32, #tpu.memory_space<hbm>> -> memref<4x50x128xf32, #tpu.memory_space<hbm>>
      %dma_wait3A_613 = arith.constant 0 : i32
      %dma_wait3A_614 = arith.constant 0 : i32
      %dma_wait3A_615 = tpu.memref_slice %arg4[%add3A_609, %dma_wait3A_613, %dma_wait3A_614] : memref<4096x50x128xf32, #tpu.memory_space<hbm>> -> memref<4x50x128xf32, #tpu.memory_space<hbm>>
      tpu.wait_dma2 semaphore(%arg15 : memref<!tpu.dma_semaphore, #tpu.memory_space<semaphore_mem>>) src(%arg7 : memref<4x50x128xf32, #tpu.memory_space<vmem>>) dst(%dma_wait3A_615 : memref<4x50x128xf32, #tpu.memory_space<hbm>>)
      %mul3A_616 = arith.constant 4 : i32
      %mul3A_617 = arith.muli %add3A_604, %mul3A_616 : i32
      %add3A_618 = arith.constant 0 : i32
      %add3A_619 = arith.addi %mul3A_617, %add3A_618 : i32
      %dma_start3A_620 = arith.constant 0 : i32
      %dma_start3A_621 = arith.constant 0 : i32
      %dma_start3A_622 = arith.constant 0 : i32
      %dma_start3A_623 = tpu.memref_slice %arg7[%dma_start3A_620, %dma_start3A_621, %dma_start3A_622] : memref<4x50x128xf32, #tpu.memory_space<vmem>> -> memref<1x50x128xf32, #tpu.memory_space<vmem>>
      %dma_start3A_624 = tpu.memref_squeeze %dma_start3A_623 : memref<1x50x128xf32, #tpu.memory_space<vmem>> -> memref<50x128xf32, #tpu.memory_space<vmem>>
      %dma_start3A_625 = arith.constant 0 : i32
      %dma_start3A_626 = tpu.memref_slice %arg5[%add3A_619, %dma_start3A_625] : memref<128x50xi32, #tpu.memory_space<vmem>> -> memref<1x50xi32, #tpu.memory_space<vmem>>
      %dma_start3A_627 = tpu.memref_squeeze %dma_start3A_626 : memref<1x50xi32, #tpu.memory_space<vmem>> -> memref<50xi32, #tpu.memory_space<vmem>>
      %dma_start3A_628 = arith.constant 0 : i32
      %dma_start3A_629 = arith.constant 0 : i32
      %dma_start3A_630 = tpu.memref_slice %arg2[%dma_start3A_628, %dma_start3A_629] : memref<100000x128xf32, #tpu.memory_space<hbm>> -> memref<100000x128xf32, #tpu.memory_space<hbm>>
      tpu.enqueue_indirect_dma source(%dma_start3A_630 : memref<100000x128xf32, #tpu.memory_space<hbm>>) target(%dma_start3A_624 : memref<50x128xf32, #tpu.memory_space<vmem>>) offsets(%dma_start3A_627 : memref<50xi32, #tpu.memory_space<vmem>>) semaphore(%arg11 : memref<!tpu.dma_semaphore, #tpu.memory_space<semaphore_mem>>)
      %mul3A_631 = arith.constant 4 : i32
      %mul3A_632 = arith.muli %add3A_604, %mul3A_631 : i32
      %add3A_633 = arith.constant 1 : i32
      %add3A_634 = arith.addi %mul3A_632, %add3A_633 : i32
      %dma_start3A_635 = arith.constant 1 : i32
      %dma_start3A_636 = arith.constant 0 : i32
      %dma_start3A_637 = arith.constant 0 : i32
      %dma_start3A_638 = tpu.memref_slice %arg7[%dma_start3A_635, %dma_start3A_636, %dma_start3A_637] : memref<4x50x128xf32, #tpu.memory_space<vmem>> -> memref<1x50x128xf32, #tpu.memory_space<vmem>>
      %dma_start3A_639 = tpu.memref_squeeze %dma_start3A_638 : memref<1x50x128xf32, #tpu.memory_space<vmem>> -> memref<50x128xf32, #tpu.memory_space<vmem>>
      %dma_start3A_640 = arith.constant 0 : i32
      %dma_start3A_641 = tpu.memref_slice %arg5[%add3A_634, %dma_start3A_640] : memref<128x50xi32, #tpu.memory_space<vmem>> -> memref<1x50xi32, #tpu.memory_space<vmem>>
      %dma_start3A_642 = tpu.memref_squeeze %dma_start3A_641 : memref<1x50xi32, #tpu.memory_space<vmem>> -> memref<50xi32, #tpu.memory_space<vmem>>
      %dma_start3A_643 = arith.constant 0 : i32
      %dma_start3A_644 = arith.constant 0 : i32
      %dma_start3A_645 = tpu.memref_slice %arg2[%dma_start3A_643, %dma_start3A_644] : memref<100000x128xf32, #tpu.memory_space<hbm>> -> memref<100000x128xf32, #tpu.memory_space<hbm>>
      tpu.enqueue_indirect_dma source(%dma_start3A_645 : memref<100000x128xf32, #tpu.memory_space<hbm>>) target(%dma_start3A_639 : memref<50x128xf32, #tpu.memory_space<vmem>>) offsets(%dma_start3A_642 : memref<50xi32, #tpu.memory_space<vmem>>) semaphore(%arg11 : memref<!tpu.dma_semaphore, #tpu.memory_space<semaphore_mem>>)
      %mul3A_646 = arith.constant 4 : i32
      %mul3A_647 = arith.muli %add3A_604, %mul3A_646 : i32
      %add3A_648 = arith.constant 2 : i32
      %add3A_649 = arith.addi %mul3A_647, %add3A_648 : i32
      %dma_start3A_650 = arith.constant 2 : i32
      %dma_start3A_651 = arith.constant 0 : i32
      %dma_start3A_652 = arith.constant 0 : i32
      %dma_start3A_653 = tpu.memref_slice %arg7[%dma_start3A_650, %dma_start3A_651, %dma_start3A_652] : memref<4x50x128xf32, #tpu.memory_space<vmem>> -> memref<1x50x128xf32, #tpu.memory_space<vmem>>
      %dma_start3A_654 = tpu.memref_squeeze %dma_start3A_653 : memref<1x50x128xf32, #tpu.memory_space<vmem>> -> memref<50x128xf32, #tpu.memory_space<vmem>>
      %dma_start3A_655 = arith.constant 0 : i32
      %dma_start3A_656 = tpu.memref_slice %arg5[%add3A_649, %dma_start3A_655] : memref<128x50xi32, #tpu.memory_space<vmem>> -> memref<1x50xi32, #tpu.memory_space<vmem>>
      %dma_start3A_657 = tpu.memref_squeeze %dma_start3A_656 : memref<1x50xi32, #tpu.memory_space<vmem>> -> memref<50xi32, #tpu.memory_space<vmem>>
      %dma_start3A_658 = arith.constant 0 : i32
      %dma_start3A_659 = arith.constant 0 : i32
      %dma_start3A_660 = tpu.memref_slice %arg2[%dma_start3A_658, %dma_start3A_659] : memref<100000x128xf32, #tpu.memory_space<hbm>> -> memref<100000x128xf32, #tpu.memory_space<hbm>>
      tpu.enqueue_indirect_dma source(%dma_start3A_660 : memref<100000x128xf32, #tpu.memory_space<hbm>>) target(%dma_start3A_654 : memref<50x128xf32, #tpu.memory_space<vmem>>) offsets(%dma_start3A_657 : memref<50xi32, #tpu.memory_space<vmem>>) semaphore(%arg11 : memref<!tpu.dma_semaphore, #tpu.memory_space<semaphore_mem>>)
      %mul3A_661 = arith.constant 4 : i32
      %mul3A_662 = arith.muli %add3A_604, %mul3A_661 : i32
      %add3A_663 = arith.constant 3 : i32
      %add3A_664 = arith.addi %mul3A_662, %add3A_663 : i32
      %dma_start3A_665 = arith.constant 3 : i32
      %dma_start3A_666 = arith.constant 0 : i32
      %dma_start3A_667 = arith.constant 0 : i32
      %dma_start3A_668 = tpu.memref_slice %arg7[%dma_start3A_665, %dma_start3A_666, %dma_start3A_667] : memref<4x50x128xf32, #tpu.memory_space<vmem>> -> memref<1x50x128xf32, #tpu.memory_space<vmem>>
      %dma_start3A_669 = tpu.memref_squeeze %dma_start3A_668 : memref<1x50x128xf32, #tpu.memory_space<vmem>> -> memref<50x128xf32, #tpu.memory_space<vmem>>
      %dma_start3A_670 = arith.constant 0 : i32
      %dma_start3A_671 = tpu.memref_slice %arg5[%add3A_664, %dma_start3A_670] : memref<128x50xi32, #tpu.memory_space<vmem>> -> memref<1x50xi32, #tpu.memory_space<vmem>>
      %dma_start3A_672 = tpu.memref_squeeze %dma_start3A_671 : memref<1x50xi32, #tpu.memory_space<vmem>> -> memref<50xi32, #tpu.memory_space<vmem>>
      %dma_start3A_673 = arith.constant 0 : i32
      %dma_start3A_674 = arith.constant 0 : i32
      %dma_start3A_675 = tpu.memref_slice %arg2[%dma_start3A_673, %dma_start3A_674] : memref<100000x128xf32, #tpu.memory_space<hbm>> -> memref<100000x128xf32, #tpu.memory_space<hbm>>
      tpu.enqueue_indirect_dma source(%dma_start3A_675 : memref<100000x128xf32, #tpu.memory_space<hbm>>) target(%dma_start3A_669 : memref<50x128xf32, #tpu.memory_space<vmem>>) offsets(%dma_start3A_672 : memref<50xi32, #tpu.memory_space<vmem>>) semaphore(%arg11 : memref<!tpu.dma_semaphore, #tpu.memory_space<semaphore_mem>>)
      %sub3A_676 = arith.constant 2 : i32
      %sub3A_677 = arith.subi %add3A_604, %sub3A_676 : i32
      %mul3A_678 = arith.constant 4 : i32
      %mul3A_679 = arith.muli %sub3A_677, %mul3A_678 : i32
      %add3A_680 = arith.constant 0 : i32
      %add3A_681 = arith.addi %mul3A_679, %add3A_680 : i32
      %dma_wait3A_682 = arith.constant 0 : i32
      %dma_wait3A_683 = arith.constant 0 : i32
      %dma_wait3A_684 = arith.constant 0 : i32
      %dma_wait3A_685 = tpu.memref_slice %arg9[%dma_wait3A_682, %dma_wait3A_683, %dma_wait3A_684] : memref<4x50x128xf32, #tpu.memory_space<vmem>> -> memref<1x50x128xf32, #tpu.memory_space<vmem>>
      %dma_wait3A_686 = tpu.memref_squeeze %dma_wait3A_685 : memref<1x50x128xf32, #tpu.memory_space<vmem>> -> memref<50x128xf32, #tpu.memory_space<vmem>>
      %dma_wait3A_687 = arith.constant 0 : i32
      %dma_wait3A_688 = tpu.memref_slice %arg5[%add3A_681, %dma_wait3A_687] : memref<128x50xi32, #tpu.memory_space<vmem>> -> memref<1x50xi32, #tpu.memory_space<vmem>>
      %dma_wait3A_689 = tpu.memref_squeeze %dma_wait3A_688 : memref<1x50xi32, #tpu.memory_space<vmem>> -> memref<50xi32, #tpu.memory_space<vmem>>
      %dma_wait3A_690 = arith.constant 0 : i32
      %dma_wait3A_691 = arith.constant 0 : i32
      %dma_wait3A_692 = tpu.memref_slice %arg2[%dma_wait3A_690, %dma_wait3A_691] : memref<100000x128xf32, #tpu.memory_space<hbm>> -> memref<100000x128xf32, #tpu.memory_space<hbm>>
      tpu.wait_indirect_dma semaphore(%arg13 : memref<!tpu.dma_semaphore, #tpu.memory_space<semaphore_mem>>) src(%dma_wait3A_692 : memref<100000x128xf32, #tpu.memory_space<hbm>>) dst(%dma_wait3A_686 : memref<50x128xf32, #tpu.memory_space<vmem>>)
      %mul3A_693 = arith.constant 4 : i32
      %mul3A_694 = arith.muli %sub3A_677, %mul3A_693 : i32
      %add3A_695 = arith.constant 1 : i32
      %add3A_696 = arith.addi %mul3A_694, %add3A_695 : i32
      %dma_wait3A_697 = arith.constant 1 : i32
      %dma_wait3A_698 = arith.constant 0 : i32
      %dma_wait3A_699 = arith.constant 0 : i32
      %dma_wait3A_700 = tpu.memref_slice %arg9[%dma_wait3A_697, %dma_wait3A_698, %dma_wait3A_699] : memref<4x50x128xf32, #tpu.memory_space<vmem>> -> memref<1x50x128xf32, #tpu.memory_space<vmem>>
      %dma_wait3A_701 = tpu.memref_squeeze %dma_wait3A_700 : memref<1x50x128xf32, #tpu.memory_space<vmem>> -> memref<50x128xf32, #tpu.memory_space<vmem>>
      %dma_wait3A_702 = arith.constant 0 : i32
      %dma_wait3A_703 = tpu.memref_slice %arg5[%add3A_696, %dma_wait3A_702] : memref<128x50xi32, #tpu.memory_space<vmem>> -> memref<1x50xi32, #tpu.memory_space<vmem>>
      %dma_wait3A_704 = tpu.memref_squeeze %dma_wait3A_703 : memref<1x50xi32, #tpu.memory_space<vmem>> -> memref<50xi32, #tpu.memory_space<vmem>>
      %dma_wait3A_705 = arith.constant 0 : i32
      %dma_wait3A_706 = arith.constant 0 : i32
      %dma_wait3A_707 = tpu.memref_slice %arg2[%dma_wait3A_705, %dma_wait3A_706] : memref<100000x128xf32, #tpu.memory_space<hbm>> -> memref<100000x128xf32, #tpu.memory_space<hbm>>
      tpu.wait_indirect_dma semaphore(%arg13 : memref<!tpu.dma_semaphore, #tpu.memory_space<semaphore_mem>>) src(%dma_wait3A_707 : memref<100000x128xf32, #tpu.memory_space<hbm>>) dst(%dma_wait3A_701 : memref<50x128xf32, #tpu.memory_space<vmem>>)
      %mul3A_708 = arith.constant 4 : i32
      %mul3A_709 = arith.muli %sub3A_677, %mul3A_708 : i32
      %add3A_710 = arith.constant 2 : i32
      %add3A_711 = arith.addi %mul3A_709, %add3A_710 : i32
      %dma_wait3A_712 = arith.constant 2 : i32
      %dma_wait3A_713 = arith.constant 0 : i32
      %dma_wait3A_714 = arith.constant 0 : i32
      %dma_wait3A_715 = tpu.memref_slice %arg9[%dma_wait3A_712, %dma_wait3A_713, %dma_wait3A_714] : memref<4x50x128xf32, #tpu.memory_space<vmem>> -> memref<1x50x128xf32, #tpu.memory_space<vmem>>
      %dma_wait3A_716 = tpu.memref_squeeze %dma_wait3A_715 : memref<1x50x128xf32, #tpu.memory_space<vmem>> -> memref<50x128xf32, #tpu.memory_space<vmem>>
      %dma_wait3A_717 = arith.constant 0 : i32
      %dma_wait3A_718 = tpu.memref_slice %arg5[%add3A_711, %dma_wait3A_717] : memref<128x50xi32, #tpu.memory_space<vmem>> -> memref<1x50xi32, #tpu.memory_space<vmem>>
      %dma_wait3A_719 = tpu.memref_squeeze %dma_wait3A_718 : memref<1x50xi32, #tpu.memory_space<vmem>> -> memref<50xi32, #tpu.memory_space<vmem>>
      %dma_wait3A_720 = arith.constant 0 : i32
      %dma_wait3A_721 = arith.constant 0 : i32
      %dma_wait3A_722 = tpu.memref_slice %arg2[%dma_wait3A_720, %dma_wait3A_721] : memref<100000x128xf32, #tpu.memory_space<hbm>> -> memref<100000x128xf32, #tpu.memory_space<hbm>>
      tpu.wait_indirect_dma semaphore(%arg13 : memref<!tpu.dma_semaphore, #tpu.memory_space<semaphore_mem>>) src(%dma_wait3A_722 : memref<100000x128xf32, #tpu.memory_space<hbm>>) dst(%dma_wait3A_716 : memref<50x128xf32, #tpu.memory_space<vmem>>)
      %mul3A_723 = arith.constant 4 : i32
      %mul3A_724 = arith.muli %sub3A_677, %mul3A_723 : i32
      %add3A_725 = arith.constant 3 : i32
      %add3A_726 = arith.addi %mul3A_724, %add3A_725 : i32
      %dma_wait3A_727 = arith.constant 3 : i32
      %dma_wait3A_728 = arith.constant 0 : i32
      %dma_wait3A_729 = arith.constant 0 : i32
      %dma_wait3A_730 = tpu.memref_slice %arg9[%dma_wait3A_727, %dma_wait3A_728, %dma_wait3A_729] : memref<4x50x128xf32, #tpu.memory_space<vmem>> -> memref<1x50x128xf32, #tpu.memory_space<vmem>>
      %dma_wait3A_731 = tpu.memref_squeeze %dma_wait3A_730 : memref<1x50x128xf32, #tpu.memory_space<vmem>> -> memref<50x128xf32, #tpu.memory_space<vmem>>
      %dma_wait3A_732 = arith.constant 0 : i32
      %dma_wait3A_733 = tpu.memref_slice %arg5[%add3A_726, %dma_wait3A_732] : memref<128x50xi32, #tpu.memory_space<vmem>> -> memref<1x50xi32, #tpu.memory_space<vmem>>
      %dma_wait3A_734 = tpu.memref_squeeze %dma_wait3A_733 : memref<1x50xi32, #tpu.memory_space<vmem>> -> memref<50xi32, #tpu.memory_space<vmem>>
      %dma_wait3A_735 = arith.constant 0 : i32
      %dma_wait3A_736 = arith.constant 0 : i32
      %dma_wait3A_737 = tpu.memref_slice %arg2[%dma_wait3A_735, %dma_wait3A_736] : memref<100000x128xf32, #tpu.memory_space<hbm>> -> memref<100000x128xf32, #tpu.memory_space<hbm>>
      tpu.wait_indirect_dma semaphore(%arg13 : memref<!tpu.dma_semaphore, #tpu.memory_space<semaphore_mem>>) src(%dma_wait3A_737 : memref<100000x128xf32, #tpu.memory_space<hbm>>) dst(%dma_wait3A_731 : memref<50x128xf32, #tpu.memory_space<vmem>>)
      %sub3A_738 = arith.constant 2 : i32
      %sub3A_739 = arith.subi %add3A_604, %sub3A_738 : i32
      %mul3A_740 = arith.constant 4 : i32
      %mul3A_741 = arith.muli %sub3A_739, %mul3A_740 : i32
      %add3A_742 = arith.addi %mul3A_2, %mul3A_741 : i32
      %dma_start3A_743 = arith.constant 0 : i32
      %dma_start3A_744 = arith.constant 0 : i32
      %dma_start3A_745 = tpu.memref_slice %arg4[%add3A_742, %dma_start3A_743, %dma_start3A_744] : memref<4096x50x128xf32, #tpu.memory_space<hbm>> -> memref<4x50x128xf32, #tpu.memory_space<hbm>>
      %dma_start3A_746 = arith.constant 0 : i32
      %dma_start3A_747 = arith.constant 0 : i32
      %dma_start3A_748 = tpu.memref_slice %arg4[%add3A_742, %dma_start3A_746, %dma_start3A_747] : memref<4096x50x128xf32, #tpu.memory_space<hbm>> -> memref<4x50x128xf32, #tpu.memory_space<hbm>>
      tpu.enqueue_dma source(%arg9 : memref<4x50x128xf32, #tpu.memory_space<vmem>>) target(%dma_start3A_748 : memref<4x50x128xf32, #tpu.memory_space<hbm>>) target_semaphore(%arg17 : memref<!tpu.dma_semaphore, #tpu.memory_space<semaphore_mem>>)
      %mul3A_749 = arith.constant 4 : i32
      %mul3A_750 = arith.muli %scan3A_453, %mul3A_749 : i32
      %add3A_751 = arith.constant 2 : i32
      %add3A_752 = arith.addi %mul3A_750, %add3A_751 : i32
      %sub3A_753 = arith.constant 4 : i32
      %sub3A_754 = arith.subi %add3A_752, %sub3A_753 : i32
      %mul3A_755 = arith.constant 4 : i32
      %mul3A_756 = arith.muli %sub3A_754, %mul3A_755 : i32
      %add3A_757 = arith.addi %mul3A_2, %mul3A_756 : i32
      %dma_wait3A_758 = arith.constant 0 : i32
      %dma_wait3A_759 = arith.constant 0 : i32
      %dma_wait3A_760 = tpu.memref_slice %arg4[%add3A_757, %dma_wait3A_758, %dma_wait3A_759] : memref<4096x50x128xf32, #tpu.memory_space<hbm>> -> memref<4x50x128xf32, #tpu.memory_space<hbm>>
      %dma_wait3A_761 = arith.constant 0 : i32
      %dma_wait3A_762 = arith.constant 0 : i32
      %dma_wait3A_763 = tpu.memref_slice %arg4[%add3A_757, %dma_wait3A_761, %dma_wait3A_762] : memref<4096x50x128xf32, #tpu.memory_space<hbm>> -> memref<4x50x128xf32, #tpu.memory_space<hbm>>
      tpu.wait_dma2 semaphore(%arg16 : memref<!tpu.dma_semaphore, #tpu.memory_space<semaphore_mem>>) src(%arg8 : memref<4x50x128xf32, #tpu.memory_space<vmem>>) dst(%dma_wait3A_763 : memref<4x50x128xf32, #tpu.memory_space<hbm>>)
      %mul3A_764 = arith.constant 4 : i32
      %mul3A_765 = arith.muli %add3A_752, %mul3A_764 : i32
      %add3A_766 = arith.constant 0 : i32
      %add3A_767 = arith.addi %mul3A_765, %add3A_766 : i32
      %dma_start3A_768 = arith.constant 0 : i32
      %dma_start3A_769 = arith.constant 0 : i32
      %dma_start3A_770 = arith.constant 0 : i32
      %dma_start3A_771 = tpu.memref_slice %arg8[%dma_start3A_768, %dma_start3A_769, %dma_start3A_770] : memref<4x50x128xf32, #tpu.memory_space<vmem>> -> memref<1x50x128xf32, #tpu.memory_space<vmem>>
      %dma_start3A_772 = tpu.memref_squeeze %dma_start3A_771 : memref<1x50x128xf32, #tpu.memory_space<vmem>> -> memref<50x128xf32, #tpu.memory_space<vmem>>
      %dma_start3A_773 = arith.constant 0 : i32
      %dma_start3A_774 = tpu.memref_slice %arg5[%add3A_767, %dma_start3A_773] : memref<128x50xi32, #tpu.memory_space<vmem>> -> memref<1x50xi32, #tpu.memory_space<vmem>>
      %dma_start3A_775 = tpu.memref_squeeze %dma_start3A_774 : memref<1x50xi32, #tpu.memory_space<vmem>> -> memref<50xi32, #tpu.memory_space<vmem>>
      %dma_start3A_776 = arith.constant 0 : i32
      %dma_start3A_777 = arith.constant 0 : i32
      %dma_start3A_778 = tpu.memref_slice %arg2[%dma_start3A_776, %dma_start3A_777] : memref<100000x128xf32, #tpu.memory_space<hbm>> -> memref<100000x128xf32, #tpu.memory_space<hbm>>
      tpu.enqueue_indirect_dma source(%dma_start3A_778 : memref<100000x128xf32, #tpu.memory_space<hbm>>) target(%dma_start3A_772 : memref<50x128xf32, #tpu.memory_space<vmem>>) offsets(%dma_start3A_775 : memref<50xi32, #tpu.memory_space<vmem>>) semaphore(%arg12 : memref<!tpu.dma_semaphore, #tpu.memory_space<semaphore_mem>>)
      %mul3A_779 = arith.constant 4 : i32
      %mul3A_780 = arith.muli %add3A_752, %mul3A_779 : i32
      %add3A_781 = arith.constant 1 : i32
      %add3A_782 = arith.addi %mul3A_780, %add3A_781 : i32
      %dma_start3A_783 = arith.constant 1 : i32
      %dma_start3A_784 = arith.constant 0 : i32
      %dma_start3A_785 = arith.constant 0 : i32
      %dma_start3A_786 = tpu.memref_slice %arg8[%dma_start3A_783, %dma_start3A_784, %dma_start3A_785] : memref<4x50x128xf32, #tpu.memory_space<vmem>> -> memref<1x50x128xf32, #tpu.memory_space<vmem>>
      %dma_start3A_787 = tpu.memref_squeeze %dma_start3A_786 : memref<1x50x128xf32, #tpu.memory_space<vmem>> -> memref<50x128xf32, #tpu.memory_space<vmem>>
      %dma_start3A_788 = arith.constant 0 : i32
      %dma_start3A_789 = tpu.memref_slice %arg5[%add3A_782, %dma_start3A_788] : memref<128x50xi32, #tpu.memory_space<vmem>> -> memref<1x50xi32, #tpu.memory_space<vmem>>
      %dma_start3A_790 = tpu.memref_squeeze %dma_start3A_789 : memref<1x50xi32, #tpu.memory_space<vmem>> -> memref<50xi32, #tpu.memory_space<vmem>>
      %dma_start3A_791 = arith.constant 0 : i32
      %dma_start3A_792 = arith.constant 0 : i32
      %dma_start3A_793 = tpu.memref_slice %arg2[%dma_start3A_791, %dma_start3A_792] : memref<100000x128xf32, #tpu.memory_space<hbm>> -> memref<100000x128xf32, #tpu.memory_space<hbm>>
      tpu.enqueue_indirect_dma source(%dma_start3A_793 : memref<100000x128xf32, #tpu.memory_space<hbm>>) target(%dma_start3A_787 : memref<50x128xf32, #tpu.memory_space<vmem>>) offsets(%dma_start3A_790 : memref<50xi32, #tpu.memory_space<vmem>>) semaphore(%arg12 : memref<!tpu.dma_semaphore, #tpu.memory_space<semaphore_mem>>)
      %mul3A_794 = arith.constant 4 : i32
      %mul3A_795 = arith.muli %add3A_752, %mul3A_794 : i32
      %add3A_796 = arith.constant 2 : i32
      %add3A_797 = arith.addi %mul3A_795, %add3A_796 : i32
      %dma_start3A_798 = arith.constant 2 : i32
      %dma_start3A_799 = arith.constant 0 : i32
      %dma_start3A_800 = arith.constant 0 : i32
      %dma_start3A_801 = tpu.memref_slice %arg8[%dma_start3A_798, %dma_start3A_799, %dma_start3A_800] : memref<4x50x128xf32, #tpu.memory_space<vmem>> -> memref<1x50x128xf32, #tpu.memory_space<vmem>>
      %dma_start3A_802 = tpu.memref_squeeze %dma_start3A_801 : memref<1x50x128xf32, #tpu.memory_space<vmem>> -> memref<50x128xf32, #tpu.memory_space<vmem>>
      %dma_start3A_803 = arith.constant 0 : i32
      %dma_start3A_804 = tpu.memref_slice %arg5[%add3A_797, %dma_start3A_803] : memref<128x50xi32, #tpu.memory_space<vmem>> -> memref<1x50xi32, #tpu.memory_space<vmem>>
      %dma_start3A_805 = tpu.memref_squeeze %dma_start3A_804 : memref<1x50xi32, #tpu.memory_space<vmem>> -> memref<50xi32, #tpu.memory_space<vmem>>
      %dma_start3A_806 = arith.constant 0 : i32
      %dma_start3A_807 = arith.constant 0 : i32
      %dma_start3A_808 = tpu.memref_slice %arg2[%dma_start3A_806, %dma_start3A_807] : memref<100000x128xf32, #tpu.memory_space<hbm>> -> memref<100000x128xf32, #tpu.memory_space<hbm>>
      tpu.enqueue_indirect_dma source(%dma_start3A_808 : memref<100000x128xf32, #tpu.memory_space<hbm>>) target(%dma_start3A_802 : memref<50x128xf32, #tpu.memory_space<vmem>>) offsets(%dma_start3A_805 : memref<50xi32, #tpu.memory_space<vmem>>) semaphore(%arg12 : memref<!tpu.dma_semaphore, #tpu.memory_space<semaphore_mem>>)
      %mul3A_809 = arith.constant 4 : i32
      %mul3A_810 = arith.muli %add3A_752, %mul3A_809 : i32
      %add3A_811 = arith.constant 3 : i32
      %add3A_812 = arith.addi %mul3A_810, %add3A_811 : i32
      %dma_start3A_813 = arith.constant 3 : i32
      %dma_start3A_814 = arith.constant 0 : i32
      %dma_start3A_815 = arith.constant 0 : i32
      %dma_start3A_816 = tpu.memref_slice %arg8[%dma_start3A_813, %dma_start3A_814, %dma_start3A_815] : memref<4x50x128xf32, #tpu.memory_space<vmem>> -> memref<1x50x128xf32, #tpu.memory_space<vmem>>
      %dma_start3A_817 = tpu.memref_squeeze %dma_start3A_816 : memref<1x50x128xf32, #tpu.memory_space<vmem>> -> memref<50x128xf32, #tpu.memory_space<vmem>>
      %dma_start3A_818 = arith.constant 0 : i32
      %dma_start3A_819 = tpu.memref_slice %arg5[%add3A_812, %dma_start3A_818] : memref<128x50xi32, #tpu.memory_space<vmem>> -> memref<1x50xi32, #tpu.memory_space<vmem>>
      %dma_start3A_820 = tpu.memref_squeeze %dma_start3A_819 : memref<1x50xi32, #tpu.memory_space<vmem>> -> memref<50xi32, #tpu.memory_space<vmem>>
      %dma_start3A_821 = arith.constant 0 : i32
      %dma_start3A_822 = arith.constant 0 : i32
      %dma_start3A_823 = tpu.memref_slice %arg2[%dma_start3A_821, %dma_start3A_822] : memref<100000x128xf32, #tpu.memory_space<hbm>> -> memref<100000x128xf32, #tpu.memory_space<hbm>>
      tpu.enqueue_indirect_dma source(%dma_start3A_823 : memref<100000x128xf32, #tpu.memory_space<hbm>>) target(%dma_start3A_817 : memref<50x128xf32, #tpu.memory_space<vmem>>) offsets(%dma_start3A_820 : memref<50xi32, #tpu.memory_space<vmem>>) semaphore(%arg12 : memref<!tpu.dma_semaphore, #tpu.memory_space<semaphore_mem>>)
      %sub3A_824 = arith.constant 2 : i32
      %sub3A_825 = arith.subi %add3A_752, %sub3A_824 : i32
      %mul3A_826 = arith.constant 4 : i32
      %mul3A_827 = arith.muli %sub3A_825, %mul3A_826 : i32
      %add3A_828 = arith.constant 0 : i32
      %add3A_829 = arith.addi %mul3A_827, %add3A_828 : i32
      %dma_wait3A_830 = arith.constant 0 : i32
      %dma_wait3A_831 = arith.constant 0 : i32
      %dma_wait3A_832 = arith.constant 0 : i32
      %dma_wait3A_833 = tpu.memref_slice %arg6[%dma_wait3A_830, %dma_wait3A_831, %dma_wait3A_832] : memref<4x50x128xf32, #tpu.memory_space<vmem>> -> memref<1x50x128xf32, #tpu.memory_space<vmem>>
      %dma_wait3A_834 = tpu.memref_squeeze %dma_wait3A_833 : memref<1x50x128xf32, #tpu.memory_space<vmem>> -> memref<50x128xf32, #tpu.memory_space<vmem>>
      %dma_wait3A_835 = arith.constant 0 : i32
      %dma_wait3A_836 = tpu.memref_slice %arg5[%add3A_829, %dma_wait3A_835] : memref<128x50xi32, #tpu.memory_space<vmem>> -> memref<1x50xi32, #tpu.memory_space<vmem>>
      %dma_wait3A_837 = tpu.memref_squeeze %dma_wait3A_836 : memref<1x50xi32, #tpu.memory_space<vmem>> -> memref<50xi32, #tpu.memory_space<vmem>>
      %dma_wait3A_838 = arith.constant 0 : i32
      %dma_wait3A_839 = arith.constant 0 : i32
      %dma_wait3A_840 = tpu.memref_slice %arg2[%dma_wait3A_838, %dma_wait3A_839] : memref<100000x128xf32, #tpu.memory_space<hbm>> -> memref<100000x128xf32, #tpu.memory_space<hbm>>
      tpu.wait_indirect_dma semaphore(%arg10 : memref<!tpu.dma_semaphore, #tpu.memory_space<semaphore_mem>>) src(%dma_wait3A_840 : memref<100000x128xf32, #tpu.memory_space<hbm>>) dst(%dma_wait3A_834 : memref<50x128xf32, #tpu.memory_space<vmem>>)
      %mul3A_841 = arith.constant 4 : i32
      %mul3A_842 = arith.muli %sub3A_825, %mul3A_841 : i32
      %add3A_843 = arith.constant 1 : i32
      %add3A_844 = arith.addi %mul3A_842, %add3A_843 : i32
      %dma_wait3A_845 = arith.constant 1 : i32
      %dma_wait3A_846 = arith.constant 0 : i32
      %dma_wait3A_847 = arith.constant 0 : i32
      %dma_wait3A_848 = tpu.memref_slice %arg6[%dma_wait3A_845, %dma_wait3A_846, %dma_wait3A_847] : memref<4x50x128xf32, #tpu.memory_space<vmem>> -> memref<1x50x128xf32, #tpu.memory_space<vmem>>
      %dma_wait3A_849 = tpu.memref_squeeze %dma_wait3A_848 : memref<1x50x128xf32, #tpu.memory_space<vmem>> -> memref<50x128xf32, #tpu.memory_space<vmem>>
      %dma_wait3A_850 = arith.constant 0 : i32
      %dma_wait3A_851 = tpu.memref_slice %arg5[%add3A_844, %dma_wait3A_850] : memref<128x50xi32, #tpu.memory_space<vmem>> -> memref<1x50xi32, #tpu.memory_space<vmem>>
      %dma_wait3A_852 = tpu.memref_squeeze %dma_wait3A_851 : memref<1x50xi32, #tpu.memory_space<vmem>> -> memref<50xi32, #tpu.memory_space<vmem>>
      %dma_wait3A_853 = arith.constant 0 : i32
      %dma_wait3A_854 = arith.constant 0 : i32
      %dma_wait3A_855 = tpu.memref_slice %arg2[%dma_wait3A_853, %dma_wait3A_854] : memref<100000x128xf32, #tpu.memory_space<hbm>> -> memref<100000x128xf32, #tpu.memory_space<hbm>>
      tpu.wait_indirect_dma semaphore(%arg10 : memref<!tpu.dma_semaphore, #tpu.memory_space<semaphore_mem>>) src(%dma_wait3A_855 : memref<100000x128xf32, #tpu.memory_space<hbm>>) dst(%dma_wait3A_849 : memref<50x128xf32, #tpu.memory_space<vmem>>)
      %mul3A_856 = arith.constant 4 : i32
      %mul3A_857 = arith.muli %sub3A_825, %mul3A_856 : i32
      %add3A_858 = arith.constant 2 : i32
      %add3A_859 = arith.addi %mul3A_857, %add3A_858 : i32
      %dma_wait3A_860 = arith.constant 2 : i32
      %dma_wait3A_861 = arith.constant 0 : i32
      %dma_wait3A_862 = arith.constant 0 : i32
      %dma_wait3A_863 = tpu.memref_slice %arg6[%dma_wait3A_860, %dma_wait3A_861, %dma_wait3A_862] : memref<4x50x128xf32, #tpu.memory_space<vmem>> -> memref<1x50x128xf32, #tpu.memory_space<vmem>>
      %dma_wait3A_864 = tpu.memref_squeeze %dma_wait3A_863 : memref<1x50x128xf32, #tpu.memory_space<vmem>> -> memref<50x128xf32, #tpu.memory_space<vmem>>
      %dma_wait3A_865 = arith.constant 0 : i32
      %dma_wait3A_866 = tpu.memref_slice %arg5[%add3A_859, %dma_wait3A_865] : memref<128x50xi32, #tpu.memory_space<vmem>> -> memref<1x50xi32, #tpu.memory_space<vmem>>
      %dma_wait3A_867 = tpu.memref_squeeze %dma_wait3A_866 : memref<1x50xi32, #tpu.memory_space<vmem>> -> memref<50xi32, #tpu.memory_space<vmem>>
      %dma_wait3A_868 = arith.constant 0 : i32
      %dma_wait3A_869 = arith.constant 0 : i32
      %dma_wait3A_870 = tpu.memref_slice %arg2[%dma_wait3A_868, %dma_wait3A_869] : memref<100000x128xf32, #tpu.memory_space<hbm>> -> memref<100000x128xf32, #tpu.memory_space<hbm>>
      tpu.wait_indirect_dma semaphore(%arg10 : memref<!tpu.dma_semaphore, #tpu.memory_space<semaphore_mem>>) src(%dma_wait3A_870 : memref<100000x128xf32, #tpu.memory_space<hbm>>) dst(%dma_wait3A_864 : memref<50x128xf32, #tpu.memory_space<vmem>>)
      %mul3A_871 = arith.constant 4 : i32
      %mul3A_872 = arith.muli %sub3A_825, %mul3A_871 : i32
      %add3A_873 = arith.constant 3 : i32
      %add3A_874 = arith.addi %mul3A_872, %add3A_873 : i32
      %dma_wait3A_875 = arith.constant 3 : i32
      %dma_wait3A_876 = arith.constant 0 : i32
      %dma_wait3A_877 = arith.constant 0 : i32
      %dma_wait3A_878 = tpu.memref_slice %arg6[%dma_wait3A_875, %dma_wait3A_876, %dma_wait3A_877] : memref<4x50x128xf32, #tpu.memory_space<vmem>> -> memref<1x50x128xf32, #tpu.memory_space<vmem>>
      %dma_wait3A_879 = tpu.memref_squeeze %dma_wait3A_878 : memref<1x50x128xf32, #tpu.memory_space<vmem>> -> memref<50x128xf32, #tpu.memory_space<vmem>>
      %dma_wait3A_880 = arith.constant 0 : i32
      %dma_wait3A_881 = tpu.memref_slice %arg5[%add3A_874, %dma_wait3A_880] : memref<128x50xi32, #tpu.memory_space<vmem>> -> memref<1x50xi32, #tpu.memory_space<vmem>>
      %dma_wait3A_882 = tpu.memref_squeeze %dma_wait3A_881 : memref<1x50xi32, #tpu.memory_space<vmem>> -> memref<50xi32, #tpu.memory_space<vmem>>
      %dma_wait3A_883 = arith.constant 0 : i32
      %dma_wait3A_884 = arith.constant 0 : i32
      %dma_wait3A_885 = tpu.memref_slice %arg2[%dma_wait3A_883, %dma_wait3A_884] : memref<100000x128xf32, #tpu.memory_space<hbm>> -> memref<100000x128xf32, #tpu.memory_space<hbm>>
      tpu.wait_indirect_dma semaphore(%arg10 : memref<!tpu.dma_semaphore, #tpu.memory_space<semaphore_mem>>) src(%dma_wait3A_885 : memref<100000x128xf32, #tpu.memory_space<hbm>>) dst(%dma_wait3A_879 : memref<50x128xf32, #tpu.memory_space<vmem>>)
      %sub3A_886 = arith.constant 2 : i32
      %sub3A_887 = arith.subi %add3A_752, %sub3A_886 : i32
      %mul3A_888 = arith.constant 4 : i32
      %mul3A_889 = arith.muli %sub3A_887, %mul3A_888 : i32
      %add3A_890 = arith.addi %mul3A_2, %mul3A_889 : i32
      %dma_start3A_891 = arith.constant 0 : i32
      %dma_start3A_892 = arith.constant 0 : i32
      %dma_start3A_893 = tpu.memref_slice %arg4[%add3A_890, %dma_start3A_891, %dma_start3A_892] : memref<4096x50x128xf32, #tpu.memory_space<hbm>> -> memref<4x50x128xf32, #tpu.memory_space<hbm>>
      %dma_start3A_894 = arith.constant 0 : i32
      %dma_start3A_895 = arith.constant 0 : i32
      %dma_start3A_896 = tpu.memref_slice %arg4[%add3A_890, %dma_start3A_894, %dma_start3A_895] : memref<4096x50x128xf32, #tpu.memory_space<hbm>> -> memref<4x50x128xf32, #tpu.memory_space<hbm>>
      tpu.enqueue_dma source(%arg6 : memref<4x50x128xf32, #tpu.memory_space<vmem>>) target(%dma_start3A_896 : memref<4x50x128xf32, #tpu.memory_space<hbm>>) target_semaphore(%arg14 : memref<!tpu.dma_semaphore, #tpu.memory_space<semaphore_mem>>)
      %mul3A_897 = arith.constant 4 : i32
      %mul3A_898 = arith.muli %scan3A_453, %mul3A_897 : i32
      %add3A_899 = arith.constant 3 : i32
      %add3A_900 = arith.addi %mul3A_898, %add3A_899 : i32
      %sub3A_901 = arith.constant 4 : i32
      %sub3A_902 = arith.subi %add3A_900, %sub3A_901 : i32
      %mul3A_903 = arith.constant 4 : i32
      %mul3A_904 = arith.muli %sub3A_902, %mul3A_903 : i32
      %add3A_905 = arith.addi %mul3A_2, %mul3A_904 : i32
      %dma_wait3A_906 = arith.constant 0 : i32
      %dma_wait3A_907 = arith.constant 0 : i32
      %dma_wait3A_908 = tpu.memref_slice %arg4[%add3A_905, %dma_wait3A_906, %dma_wait3A_907] : memref<4096x50x128xf32, #tpu.memory_space<hbm>> -> memref<4x50x128xf32, #tpu.memory_space<hbm>>
      %dma_wait3A_909 = arith.constant 0 : i32
      %dma_wait3A_910 = arith.constant 0 : i32
      %dma_wait3A_911 = tpu.memref_slice %arg4[%add3A_905, %dma_wait3A_909, %dma_wait3A_910] : memref<4096x50x128xf32, #tpu.memory_space<hbm>> -> memref<4x50x128xf32, #tpu.memory_space<hbm>>
      tpu.wait_dma2 semaphore(%arg17 : memref<!tpu.dma_semaphore, #tpu.memory_space<semaphore_mem>>) src(%arg9 : memref<4x50x128xf32, #tpu.memory_space<vmem>>) dst(%dma_wait3A_911 : memref<4x50x128xf32, #tpu.memory_space<hbm>>)
      %mul3A_912 = arith.constant 4 : i32
      %mul3A_913 = arith.muli %add3A_900, %mul3A_912 : i32
      %add3A_914 = arith.constant 0 : i32
      %add3A_915 = arith.addi %mul3A_913, %add3A_914 : i32
      %dma_start3A_916 = arith.constant 0 : i32
      %dma_start3A_917 = arith.constant 0 : i32
      %dma_start3A_918 = arith.constant 0 : i32
      %dma_start3A_919 = tpu.memref_slice %arg9[%dma_start3A_916, %dma_start3A_917, %dma_start3A_918] : memref<4x50x128xf32, #tpu.memory_space<vmem>> -> memref<1x50x128xf32, #tpu.memory_space<vmem>>
      %dma_start3A_920 = tpu.memref_squeeze %dma_start3A_919 : memref<1x50x128xf32, #tpu.memory_space<vmem>> -> memref<50x128xf32, #tpu.memory_space<vmem>>
      %dma_start3A_921 = arith.constant 0 : i32
      %dma_start3A_922 = tpu.memref_slice %arg5[%add3A_915, %dma_start3A_921] : memref<128x50xi32, #tpu.memory_space<vmem>> -> memref<1x50xi32, #tpu.memory_space<vmem>>
      %dma_start3A_923 = tpu.memref_squeeze %dma_start3A_922 : memref<1x50xi32, #tpu.memory_space<vmem>> -> memref<50xi32, #tpu.memory_space<vmem>>
      %dma_start3A_924 = arith.constant 0 : i32
      %dma_start3A_925 = arith.constant 0 : i32
      %dma_start3A_926 = tpu.memref_slice %arg2[%dma_start3A_924, %dma_start3A_925] : memref<100000x128xf32, #tpu.memory_space<hbm>> -> memref<100000x128xf32, #tpu.memory_space<hbm>>
      tpu.enqueue_indirect_dma source(%dma_start3A_926 : memref<100000x128xf32, #tpu.memory_space<hbm>>) target(%dma_start3A_920 : memref<50x128xf32, #tpu.memory_space<vmem>>) offsets(%dma_start3A_923 : memref<50xi32, #tpu.memory_space<vmem>>) semaphore(%arg13 : memref<!tpu.dma_semaphore, #tpu.memory_space<semaphore_mem>>)
      %mul3A_927 = arith.constant 4 : i32
      %mul3A_928 = arith.muli %add3A_900, %mul3A_927 : i32
      %add3A_929 = arith.constant 1 : i32
      %add3A_930 = arith.addi %mul3A_928, %add3A_929 : i32
      %dma_start3A_931 = arith.constant 1 : i32
      %dma_start3A_932 = arith.constant 0 : i32
      %dma_start3A_933 = arith.constant 0 : i32
      %dma_start3A_934 = tpu.memref_slice %arg9[%dma_start3A_931, %dma_start3A_932, %dma_start3A_933] : memref<4x50x128xf32, #tpu.memory_space<vmem>> -> memref<1x50x128xf32, #tpu.memory_space<vmem>>
      %dma_start3A_935 = tpu.memref_squeeze %dma_start3A_934 : memref<1x50x128xf32, #tpu.memory_space<vmem>> -> memref<50x128xf32, #tpu.memory_space<vmem>>
      %dma_start3A_936 = arith.constant 0 : i32
      %dma_start3A_937 = tpu.memref_slice %arg5[%add3A_930, %dma_start3A_936] : memref<128x50xi32, #tpu.memory_space<vmem>> -> memref<1x50xi32, #tpu.memory_space<vmem>>
      %dma_start3A_938 = tpu.memref_squeeze %dma_start3A_937 : memref<1x50xi32, #tpu.memory_space<vmem>> -> memref<50xi32, #tpu.memory_space<vmem>>
      %dma_start3A_939 = arith.constant 0 : i32
      %dma_start3A_940 = arith.constant 0 : i32
      %dma_start3A_941 = tpu.memref_slice %arg2[%dma_start3A_939, %dma_start3A_940] : memref<100000x128xf32, #tpu.memory_space<hbm>> -> memref<100000x128xf32, #tpu.memory_space<hbm>>
      tpu.enqueue_indirect_dma source(%dma_start3A_941 : memref<100000x128xf32, #tpu.memory_space<hbm>>) target(%dma_start3A_935 : memref<50x128xf32, #tpu.memory_space<vmem>>) offsets(%dma_start3A_938 : memref<50xi32, #tpu.memory_space<vmem>>) semaphore(%arg13 : memref<!tpu.dma_semaphore, #tpu.memory_space<semaphore_mem>>)
      %mul3A_942 = arith.constant 4 : i32
      %mul3A_943 = arith.muli %add3A_900, %mul3A_942 : i32
      %add3A_944 = arith.constant 2 : i32
      %add3A_945 = arith.addi %mul3A_943, %add3A_944 : i32
      %dma_start3A_946 = arith.constant 2 : i32
      %dma_start3A_947 = arith.constant 0 : i32
      %dma_start3A_948 = arith.constant 0 : i32
      %dma_start3A_949 = tpu.memref_slice %arg9[%dma_start3A_946, %dma_start3A_947, %dma_start3A_948] : memref<4x50x128xf32, #tpu.memory_space<vmem>> -> memref<1x50x128xf32, #tpu.memory_space<vmem>>
      %dma_start3A_950 = tpu.memref_squeeze %dma_start3A_949 : memref<1x50x128xf32, #tpu.memory_space<vmem>> -> memref<50x128xf32, #tpu.memory_space<vmem>>
      %dma_start3A_951 = arith.constant 0 : i32
      %dma_start3A_952 = tpu.memref_slice %arg5[%add3A_945, %dma_start3A_951] : memref<128x50xi32, #tpu.memory_space<vmem>> -> memref<1x50xi32, #tpu.memory_space<vmem>>
      %dma_start3A_953 = tpu.memref_squeeze %dma_start3A_952 : memref<1x50xi32, #tpu.memory_space<vmem>> -> memref<50xi32, #tpu.memory_space<vmem>>
      %dma_start3A_954 = arith.constant 0 : i32
      %dma_start3A_955 = arith.constant 0 : i32
      %dma_start3A_956 = tpu.memref_slice %arg2[%dma_start3A_954, %dma_start3A_955] : memref<100000x128xf32, #tpu.memory_space<hbm>> -> memref<100000x128xf32, #tpu.memory_space<hbm>>
      tpu.enqueue_indirect_dma source(%dma_start3A_956 : memref<100000x128xf32, #tpu.memory_space<hbm>>) target(%dma_start3A_950 : memref<50x128xf32, #tpu.memory_space<vmem>>) offsets(%dma_start3A_953 : memref<50xi32, #tpu.memory_space<vmem>>) semaphore(%arg13 : memref<!tpu.dma_semaphore, #tpu.memory_space<semaphore_mem>>)
      %mul3A_957 = arith.constant 4 : i32
      %mul3A_958 = arith.muli %add3A_900, %mul3A_957 : i32
      %add3A_959 = arith.constant 3 : i32
      %add3A_960 = arith.addi %mul3A_958, %add3A_959 : i32
      %dma_start3A_961 = arith.constant 3 : i32
      %dma_start3A_962 = arith.constant 0 : i32
      %dma_start3A_963 = arith.constant 0 : i32
      %dma_start3A_964 = tpu.memref_slice %arg9[%dma_start3A_961, %dma_start3A_962, %dma_start3A_963] : memref<4x50x128xf32, #tpu.memory_space<vmem>> -> memref<1x50x128xf32, #tpu.memory_space<vmem>>
      %dma_start3A_965 = tpu.memref_squeeze %dma_start3A_964 : memref<1x50x128xf32, #tpu.memory_space<vmem>> -> memref<50x128xf32, #tpu.memory_space<vmem>>
      %dma_start3A_966 = arith.constant 0 : i32
      %dma_start3A_967 = tpu.memref_slice %arg5[%add3A_960, %dma_start3A_966] : memref<128x50xi32, #tpu.memory_space<vmem>> -> memref<1x50xi32, #tpu.memory_space<vmem>>
      %dma_start3A_968 = tpu.memref_squeeze %dma_start3A_967 : memref<1x50xi32, #tpu.memory_space<vmem>> -> memref<50xi32, #tpu.memory_space<vmem>>
      %dma_start3A_969 = arith.constant 0 : i32
      %dma_start3A_970 = arith.constant 0 : i32
      %dma_start3A_971 = tpu.memref_slice %arg2[%dma_start3A_969, %dma_start3A_970] : memref<100000x128xf32, #tpu.memory_space<hbm>> -> memref<100000x128xf32, #tpu.memory_space<hbm>>
      tpu.enqueue_indirect_dma source(%dma_start3A_971 : memref<100000x128xf32, #tpu.memory_space<hbm>>) target(%dma_start3A_965 : memref<50x128xf32, #tpu.memory_space<vmem>>) offsets(%dma_start3A_968 : memref<50xi32, #tpu.memory_space<vmem>>) semaphore(%arg13 : memref<!tpu.dma_semaphore, #tpu.memory_space<semaphore_mem>>)
      %sub3A_972 = arith.constant 2 : i32
      %sub3A_973 = arith.subi %add3A_900, %sub3A_972 : i32
      %mul3A_974 = arith.constant 4 : i32
      %mul3A_975 = arith.muli %sub3A_973, %mul3A_974 : i32
      %add3A_976 = arith.constant 0 : i32
      %add3A_977 = arith.addi %mul3A_975, %add3A_976 : i32
      %dma_wait3A_978 = arith.constant 0 : i32
      %dma_wait3A_979 = arith.constant 0 : i32
      %dma_wait3A_980 = arith.constant 0 : i32
      %dma_wait3A_981 = tpu.memref_slice %arg7[%dma_wait3A_978, %dma_wait3A_979, %dma_wait3A_980] : memref<4x50x128xf32, #tpu.memory_space<vmem>> -> memref<1x50x128xf32, #tpu.memory_space<vmem>>
      %dma_wait3A_982 = tpu.memref_squeeze %dma_wait3A_981 : memref<1x50x128xf32, #tpu.memory_space<vmem>> -> memref<50x128xf32, #tpu.memory_space<vmem>>
      %dma_wait3A_983 = arith.constant 0 : i32
      %dma_wait3A_984 = tpu.memref_slice %arg5[%add3A_977, %dma_wait3A_983] : memref<128x50xi32, #tpu.memory_space<vmem>> -> memref<1x50xi32, #tpu.memory_space<vmem>>
      %dma_wait3A_985 = tpu.memref_squeeze %dma_wait3A_984 : memref<1x50xi32, #tpu.memory_space<vmem>> -> memref<50xi32, #tpu.memory_space<vmem>>
      %dma_wait3A_986 = arith.constant 0 : i32
      %dma_wait3A_987 = arith.constant 0 : i32
      %dma_wait3A_988 = tpu.memref_slice %arg2[%dma_wait3A_986, %dma_wait3A_987] : memref<100000x128xf32, #tpu.memory_space<hbm>> -> memref<100000x128xf32, #tpu.memory_space<hbm>>
      tpu.wait_indirect_dma semaphore(%arg11 : memref<!tpu.dma_semaphore, #tpu.memory_space<semaphore_mem>>) src(%dma_wait3A_988 : memref<100000x128xf32, #tpu.memory_space<hbm>>) dst(%dma_wait3A_982 : memref<50x128xf32, #tpu.memory_space<vmem>>)
      %mul3A_989 = arith.constant 4 : i32
      %mul3A_990 = arith.muli %sub3A_973, %mul3A_989 : i32
      %add3A_991 = arith.constant 1 : i32
      %add3A_992 = arith.addi %mul3A_990, %add3A_991 : i32
      %dma_wait3A_993 = arith.constant 1 : i32
      %dma_wait3A_994 = arith.constant 0 : i32
      %dma_wait3A_995 = arith.constant 0 : i32
      %dma_wait3A_996 = tpu.memref_slice %arg7[%dma_wait3A_993, %dma_wait3A_994, %dma_wait3A_995] : memref<4x50x128xf32, #tpu.memory_space<vmem>> -> memref<1x50x128xf32, #tpu.memory_space<vmem>>
      %dma_wait3A_997 = tpu.memref_squeeze %dma_wait3A_996 : memref<1x50x128xf32, #tpu.memory_space<vmem>> -> memref<50x128xf32, #tpu.memory_space<vmem>>
      %dma_wait3A_998 = arith.constant 0 : i32
      %dma_wait3A_999 = tpu.memref_slice %arg5[%add3A_992, %dma_wait3A_998] : memref<128x50xi32, #tpu.memory_space<vmem>> -> memref<1x50xi32, #tpu.memory_space<vmem>>
      %dma_wait3A_1000 = tpu.memref_squeeze %dma_wait3A_999 : memref<1x50xi32, #tpu.memory_space<vmem>> -> memref<50xi32, #tpu.memory_space<vmem>>
      %dma_wait3A_1001 = arith.constant 0 : i32
      %dma_wait3A_1002 = arith.constant 0 : i32
      %dma_wait3A_1003 = tpu.memref_slice %arg2[%dma_wait3A_1001, %dma_wait3A_1002] : memref<100000x128xf32, #tpu.memory_space<hbm>> -> memref<100000x128xf32, #tpu.memory_space<hbm>>
      tpu.wait_indirect_dma semaphore(%arg11 : memref<!tpu.dma_semaphore, #tpu.memory_space<semaphore_mem>>) src(%dma_wait3A_1003 : memref<100000x128xf32, #tpu.memory_space<hbm>>) dst(%dma_wait3A_997 : memref<50x128xf32, #tpu.memory_space<vmem>>)
      %mul3A_1004 = arith.constant 4 : i32
      %mul3A_1005 = arith.muli %sub3A_973, %mul3A_1004 : i32
      %add3A_1006 = arith.constant 2 : i32
      %add3A_1007 = arith.addi %mul3A_1005, %add3A_1006 : i32
      %dma_wait3A_1008 = arith.constant 2 : i32
      %dma_wait3A_1009 = arith.constant 0 : i32
      %dma_wait3A_1010 = arith.constant 0 : i32
      %dma_wait3A_1011 = tpu.memref_slice %arg7[%dma_wait3A_1008, %dma_wait3A_1009, %dma_wait3A_1010] : memref<4x50x128xf32, #tpu.memory_space<vmem>> -> memref<1x50x128xf32, #tpu.memory_space<vmem>>
      %dma_wait3A_1012 = tpu.memref_squeeze %dma_wait3A_1011 : memref<1x50x128xf32, #tpu.memory_space<vmem>> -> memref<50x128xf32, #tpu.memory_space<vmem>>
      %dma_wait3A_1013 = arith.constant 0 : i32
      %dma_wait3A_1014 = tpu.memref_slice %arg5[%add3A_1007, %dma_wait3A_1013] : memref<128x50xi32, #tpu.memory_space<vmem>> -> memref<1x50xi32, #tpu.memory_space<vmem>>
      %dma_wait3A_1015 = tpu.memref_squeeze %dma_wait3A_1014 : memref<1x50xi32, #tpu.memory_space<vmem>> -> memref<50xi32, #tpu.memory_space<vmem>>
      %dma_wait3A_1016 = arith.constant 0 : i32
      %dma_wait3A_1017 = arith.constant 0 : i32
      %dma_wait3A_1018 = tpu.memref_slice %arg2[%dma_wait3A_1016, %dma_wait3A_1017] : memref<100000x128xf32, #tpu.memory_space<hbm>> -> memref<100000x128xf32, #tpu.memory_space<hbm>>
      tpu.wait_indirect_dma semaphore(%arg11 : memref<!tpu.dma_semaphore, #tpu.memory_space<semaphore_mem>>) src(%dma_wait3A_1018 : memref<100000x128xf32, #tpu.memory_space<hbm>>) dst(%dma_wait3A_1012 : memref<50x128xf32, #tpu.memory_space<vmem>>)
      %mul3A_1019 = arith.constant 4 : i32
      %mul3A_1020 = arith.muli %sub3A_973, %mul3A_1019 : i32
      %add3A_1021 = arith.constant 3 : i32
      %add3A_1022 = arith.addi %mul3A_1020, %add3A_1021 : i32
      %dma_wait3A_1023 = arith.constant 3 : i32
      %dma_wait3A_1024 = arith.constant 0 : i32
      %dma_wait3A_1025 = arith.constant 0 : i32
      %dma_wait3A_1026 = tpu.memref_slice %arg7[%dma_wait3A_1023, %dma_wait3A_1024, %dma_wait3A_1025] : memref<4x50x128xf32, #tpu.memory_space<vmem>> -> memref<1x50x128xf32, #tpu.memory_space<vmem>>
      %dma_wait3A_1027 = tpu.memref_squeeze %dma_wait3A_1026 : memref<1x50x128xf32, #tpu.memory_space<vmem>> -> memref<50x128xf32, #tpu.memory_space<vmem>>
      %dma_wait3A_1028 = arith.constant 0 : i32
      %dma_wait3A_1029 = tpu.memref_slice %arg5[%add3A_1022, %dma_wait3A_1028] : memref<128x50xi32, #tpu.memory_space<vmem>> -> memref<1x50xi32, #tpu.memory_space<vmem>>
      %dma_wait3A_1030 = tpu.memref_squeeze %dma_wait3A_1029 : memref<1x50xi32, #tpu.memory_space<vmem>> -> memref<50xi32, #tpu.memory_space<vmem>>
      %dma_wait3A_1031 = arith.constant 0 : i32
      %dma_wait3A_1032 = arith.constant 0 : i32
      %dma_wait3A_1033 = tpu.memref_slice %arg2[%dma_wait3A_1031, %dma_wait3A_1032] : memref<100000x128xf32, #tpu.memory_space<hbm>> -> memref<100000x128xf32, #tpu.memory_space<hbm>>
      tpu.wait_indirect_dma semaphore(%arg11 : memref<!tpu.dma_semaphore, #tpu.memory_space<semaphore_mem>>) src(%dma_wait3A_1033 : memref<100000x128xf32, #tpu.memory_space<hbm>>) dst(%dma_wait3A_1027 : memref<50x128xf32, #tpu.memory_space<vmem>>)
      %sub3A_1034 = arith.constant 2 : i32
      %sub3A_1035 = arith.subi %add3A_900, %sub3A_1034 : i32
      %mul3A_1036 = arith.constant 4 : i32
      %mul3A_1037 = arith.muli %sub3A_1035, %mul3A_1036 : i32
      %add3A_1038 = arith.addi %mul3A_2, %mul3A_1037 : i32
      %dma_start3A_1039 = arith.constant 0 : i32
      %dma_start3A_1040 = arith.constant 0 : i32
      %dma_start3A_1041 = tpu.memref_slice %arg4[%add3A_1038, %dma_start3A_1039, %dma_start3A_1040] : memref<4096x50x128xf32, #tpu.memory_space<hbm>> -> memref<4x50x128xf32, #tpu.memory_space<hbm>>
      %dma_start3A_1042 = arith.constant 0 : i32
      %dma_start3A_1043 = arith.constant 0 : i32
      %dma_start3A_1044 = tpu.memref_slice %arg4[%add3A_1038, %dma_start3A_1042, %dma_start3A_1043] : memref<4096x50x128xf32, #tpu.memory_space<hbm>> -> memref<4x50x128xf32, #tpu.memory_space<hbm>>
      tpu.enqueue_dma source(%arg7 : memref<4x50x128xf32, #tpu.memory_space<vmem>>) target(%dma_start3A_1044 : memref<4x50x128xf32, #tpu.memory_space<hbm>>) target_semaphore(%arg15 : memref<!tpu.dma_semaphore, #tpu.memory_space<semaphore_mem>>)
    }
    %scan3A_308 = arith.constant 7 : i32
    %dma_wait3A_309 = arith.constant 120 : i32
    %dma_wait3A_310 = arith.constant 0 : i32
    %dma_wait3A_311 = arith.constant 0 : i32
    %dma_wait3A_312 = arith.constant 0 : i32
    %dma_wait3A_313 = tpu.memref_slice %arg8[%dma_wait3A_310, %dma_wait3A_311, %dma_wait3A_312] : memref<4x50x128xf32, #tpu.memory_space<vmem>> -> memref<1x50x128xf32, #tpu.memory_space<vmem>>
    %dma_wait3A_314 = tpu.memref_squeeze %dma_wait3A_313 : memref<1x50x128xf32, #tpu.memory_space<vmem>> -> memref<50x128xf32, #tpu.memory_space<vmem>>
    %dma_wait3A_315 = arith.constant 0 : i32
    %dma_wait3A_316 = tpu.memref_slice %arg5[%dma_wait3A_309, %dma_wait3A_315] : memref<128x50xi32, #tpu.memory_space<vmem>> -> memref<1x50xi32, #tpu.memory_space<vmem>>
    %dma_wait3A_317 = tpu.memref_squeeze %dma_wait3A_316 : memref<1x50xi32, #tpu.memory_space<vmem>> -> memref<50xi32, #tpu.memory_space<vmem>>
    %dma_wait3A_318 = arith.constant 0 : i32
    %dma_wait3A_319 = arith.constant 0 : i32
    %dma_wait3A_320 = tpu.memref_slice %arg2[%dma_wait3A_318, %dma_wait3A_319] : memref<100000x128xf32, #tpu.memory_space<hbm>> -> memref<100000x128xf32, #tpu.memory_space<hbm>>
    tpu.wait_indirect_dma semaphore(%arg12 : memref<!tpu.dma_semaphore, #tpu.memory_space<semaphore_mem>>) src(%dma_wait3A_320 : memref<100000x128xf32, #tpu.memory_space<hbm>>) dst(%dma_wait3A_314 : memref<50x128xf32, #tpu.memory_space<vmem>>)
    %dma_wait3A_321 = arith.constant 121 : i32
    %dma_wait3A_322 = arith.constant 1 : i32
    %dma_wait3A_323 = arith.constant 0 : i32
    %dma_wait3A_324 = arith.constant 0 : i32
    %dma_wait3A_325 = tpu.memref_slice %arg8[%dma_wait3A_322, %dma_wait3A_323, %dma_wait3A_324] : memref<4x50x128xf32, #tpu.memory_space<vmem>> -> memref<1x50x128xf32, #tpu.memory_space<vmem>>
    %dma_wait3A_326 = tpu.memref_squeeze %dma_wait3A_325 : memref<1x50x128xf32, #tpu.memory_space<vmem>> -> memref<50x128xf32, #tpu.memory_space<vmem>>
    %dma_wait3A_327 = arith.constant 0 : i32
    %dma_wait3A_328 = tpu.memref_slice %arg5[%dma_wait3A_321, %dma_wait3A_327] : memref<128x50xi32, #tpu.memory_space<vmem>> -> memref<1x50xi32, #tpu.memory_space<vmem>>
    %dma_wait3A_329 = tpu.memref_squeeze %dma_wait3A_328 : memref<1x50xi32, #tpu.memory_space<vmem>> -> memref<50xi32, #tpu.memory_space<vmem>>
    %dma_wait3A_330 = arith.constant 0 : i32
    %dma_wait3A_331 = arith.constant 0 : i32
    %dma_wait3A_332 = tpu.memref_slice %arg2[%dma_wait3A_330, %dma_wait3A_331] : memref<100000x128xf32, #tpu.memory_space<hbm>> -> memref<100000x128xf32, #tpu.memory_space<hbm>>
    tpu.wait_indirect_dma semaphore(%arg12 : memref<!tpu.dma_semaphore, #tpu.memory_space<semaphore_mem>>) src(%dma_wait3A_332 : memref<100000x128xf32, #tpu.memory_space<hbm>>) dst(%dma_wait3A_326 : memref<50x128xf32, #tpu.memory_space<vmem>>)
    %dma_wait3A_333 = arith.constant 122 : i32
    %dma_wait3A_334 = arith.constant 2 : i32
    %dma_wait3A_335 = arith.constant 0 : i32
    %dma_wait3A_336 = arith.constant 0 : i32
    %dma_wait3A_337 = tpu.memref_slice %arg8[%dma_wait3A_334, %dma_wait3A_335, %dma_wait3A_336] : memref<4x50x128xf32, #tpu.memory_space<vmem>> -> memref<1x50x128xf32, #tpu.memory_space<vmem>>
    %dma_wait3A_338 = tpu.memref_squeeze %dma_wait3A_337 : memref<1x50x128xf32, #tpu.memory_space<vmem>> -> memref<50x128xf32, #tpu.memory_space<vmem>>
    %dma_wait3A_339 = arith.constant 0 : i32
    %dma_wait3A_340 = tpu.memref_slice %arg5[%dma_wait3A_333, %dma_wait3A_339] : memref<128x50xi32, #tpu.memory_space<vmem>> -> memref<1x50xi32, #tpu.memory_space<vmem>>
    %dma_wait3A_341 = tpu.memref_squeeze %dma_wait3A_340 : memref<1x50xi32, #tpu.memory_space<vmem>> -> memref<50xi32, #tpu.memory_space<vmem>>
    %dma_wait3A_342 = arith.constant 0 : i32
    %dma_wait3A_343 = arith.constant 0 : i32
    %dma_wait3A_344 = tpu.memref_slice %arg2[%dma_wait3A_342, %dma_wait3A_343] : memref<100000x128xf32, #tpu.memory_space<hbm>> -> memref<100000x128xf32, #tpu.memory_space<hbm>>
    tpu.wait_indirect_dma semaphore(%arg12 : memref<!tpu.dma_semaphore, #tpu.memory_space<semaphore_mem>>) src(%dma_wait3A_344 : memref<100000x128xf32, #tpu.memory_space<hbm>>) dst(%dma_wait3A_338 : memref<50x128xf32, #tpu.memory_space<vmem>>)
    %dma_wait3A_345 = arith.constant 123 : i32
    %dma_wait3A_346 = arith.constant 3 : i32
    %dma_wait3A_347 = arith.constant 0 : i32
    %dma_wait3A_348 = arith.constant 0 : i32
    %dma_wait3A_349 = tpu.memref_slice %arg8[%dma_wait3A_346, %dma_wait3A_347, %dma_wait3A_348] : memref<4x50x128xf32, #tpu.memory_space<vmem>> -> memref<1x50x128xf32, #tpu.memory_space<vmem>>
    %dma_wait3A_350 = tpu.memref_squeeze %dma_wait3A_349 : memref<1x50x128xf32, #tpu.memory_space<vmem>> -> memref<50x128xf32, #tpu.memory_space<vmem>>
    %dma_wait3A_351 = arith.constant 0 : i32
    %dma_wait3A_352 = tpu.memref_slice %arg5[%dma_wait3A_345, %dma_wait3A_351] : memref<128x50xi32, #tpu.memory_space<vmem>> -> memref<1x50xi32, #tpu.memory_space<vmem>>
    %dma_wait3A_353 = tpu.memref_squeeze %dma_wait3A_352 : memref<1x50xi32, #tpu.memory_space<vmem>> -> memref<50xi32, #tpu.memory_space<vmem>>
    %dma_wait3A_354 = arith.constant 0 : i32
    %dma_wait3A_355 = arith.constant 0 : i32
    %dma_wait3A_356 = tpu.memref_slice %arg2[%dma_wait3A_354, %dma_wait3A_355] : memref<100000x128xf32, #tpu.memory_space<hbm>> -> memref<100000x128xf32, #tpu.memory_space<hbm>>
    tpu.wait_indirect_dma semaphore(%arg12 : memref<!tpu.dma_semaphore, #tpu.memory_space<semaphore_mem>>) src(%dma_wait3A_356 : memref<100000x128xf32, #tpu.memory_space<hbm>>) dst(%dma_wait3A_350 : memref<50x128xf32, #tpu.memory_space<vmem>>)
    %add3A_357 = arith.constant 120 : i32
    %add3A_358 = arith.addi %mul3A_2, %add3A_357 : i32
    %dma_start3A_359 = arith.constant 0 : i32
    %dma_start3A_360 = arith.constant 0 : i32
    %dma_start3A_361 = tpu.memref_slice %arg4[%add3A_358, %dma_start3A_359, %dma_start3A_360] : memref<4096x50x128xf32, #tpu.memory_space<hbm>> -> memref<4x50x128xf32, #tpu.memory_space<hbm>>
    %dma_start3A_362 = arith.constant 0 : i32
    %dma_start3A_363 = arith.constant 0 : i32
    %dma_start3A_364 = tpu.memref_slice %arg4[%add3A_358, %dma_start3A_362, %dma_start3A_363] : memref<4096x50x128xf32, #tpu.memory_space<hbm>> -> memref<4x50x128xf32, #tpu.memory_space<hbm>>
    tpu.enqueue_dma source(%arg8 : memref<4x50x128xf32, #tpu.memory_space<vmem>>) target(%dma_start3A_364 : memref<4x50x128xf32, #tpu.memory_space<hbm>>) target_semaphore(%arg16 : memref<!tpu.dma_semaphore, #tpu.memory_space<semaphore_mem>>)
    %dma_wait3A_365 = arith.constant 124 : i32
    %dma_wait3A_366 = arith.constant 0 : i32
    %dma_wait3A_367 = arith.constant 0 : i32
    %dma_wait3A_368 = arith.constant 0 : i32
    %dma_wait3A_369 = tpu.memref_slice %arg9[%dma_wait3A_366, %dma_wait3A_367, %dma_wait3A_368] : memref<4x50x128xf32, #tpu.memory_space<vmem>> -> memref<1x50x128xf32, #tpu.memory_space<vmem>>
    %dma_wait3A_370 = tpu.memref_squeeze %dma_wait3A_369 : memref<1x50x128xf32, #tpu.memory_space<vmem>> -> memref<50x128xf32, #tpu.memory_space<vmem>>
    %dma_wait3A_371 = arith.constant 0 : i32
    %dma_wait3A_372 = tpu.memref_slice %arg5[%dma_wait3A_365, %dma_wait3A_371] : memref<128x50xi32, #tpu.memory_space<vmem>> -> memref<1x50xi32, #tpu.memory_space<vmem>>
    %dma_wait3A_373 = tpu.memref_squeeze %dma_wait3A_372 : memref<1x50xi32, #tpu.memory_space<vmem>> -> memref<50xi32, #tpu.memory_space<vmem>>
    %dma_wait3A_374 = arith.constant 0 : i32
    %dma_wait3A_375 = arith.constant 0 : i32
    %dma_wait3A_376 = tpu.memref_slice %arg2[%dma_wait3A_374, %dma_wait3A_375] : memref<100000x128xf32, #tpu.memory_space<hbm>> -> memref<100000x128xf32, #tpu.memory_space<hbm>>
    tpu.wait_indirect_dma semaphore(%arg13 : memref<!tpu.dma_semaphore, #tpu.memory_space<semaphore_mem>>) src(%dma_wait3A_376 : memref<100000x128xf32, #tpu.memory_space<hbm>>) dst(%dma_wait3A_370 : memref<50x128xf32, #tpu.memory_space<vmem>>)
    %dma_wait3A_377 = arith.constant 125 : i32
    %dma_wait3A_378 = arith.constant 1 : i32
    %dma_wait3A_379 = arith.constant 0 : i32
    %dma_wait3A_380 = arith.constant 0 : i32
    %dma_wait3A_381 = tpu.memref_slice %arg9[%dma_wait3A_378, %dma_wait3A_379, %dma_wait3A_380] : memref<4x50x128xf32, #tpu.memory_space<vmem>> -> memref<1x50x128xf32, #tpu.memory_space<vmem>>
    %dma_wait3A_382 = tpu.memref_squeeze %dma_wait3A_381 : memref<1x50x128xf32, #tpu.memory_space<vmem>> -> memref<50x128xf32, #tpu.memory_space<vmem>>
    %dma_wait3A_383 = arith.constant 0 : i32
    %dma_wait3A_384 = tpu.memref_slice %arg5[%dma_wait3A_377, %dma_wait3A_383] : memref<128x50xi32, #tpu.memory_space<vmem>> -> memref<1x50xi32, #tpu.memory_space<vmem>>
    %dma_wait3A_385 = tpu.memref_squeeze %dma_wait3A_384 : memref<1x50xi32, #tpu.memory_space<vmem>> -> memref<50xi32, #tpu.memory_space<vmem>>
    %dma_wait3A_386 = arith.constant 0 : i32
    %dma_wait3A_387 = arith.constant 0 : i32
    %dma_wait3A_388 = tpu.memref_slice %arg2[%dma_wait3A_386, %dma_wait3A_387] : memref<100000x128xf32, #tpu.memory_space<hbm>> -> memref<100000x128xf32, #tpu.memory_space<hbm>>
    tpu.wait_indirect_dma semaphore(%arg13 : memref<!tpu.dma_semaphore, #tpu.memory_space<semaphore_mem>>) src(%dma_wait3A_388 : memref<100000x128xf32, #tpu.memory_space<hbm>>) dst(%dma_wait3A_382 : memref<50x128xf32, #tpu.memory_space<vmem>>)
    %dma_wait3A_389 = arith.constant 126 : i32
    %dma_wait3A_390 = arith.constant 2 : i32
    %dma_wait3A_391 = arith.constant 0 : i32
    %dma_wait3A_392 = arith.constant 0 : i32
    %dma_wait3A_393 = tpu.memref_slice %arg9[%dma_wait3A_390, %dma_wait3A_391, %dma_wait3A_392] : memref<4x50x128xf32, #tpu.memory_space<vmem>> -> memref<1x50x128xf32, #tpu.memory_space<vmem>>
    %dma_wait3A_394 = tpu.memref_squeeze %dma_wait3A_393 : memref<1x50x128xf32, #tpu.memory_space<vmem>> -> memref<50x128xf32, #tpu.memory_space<vmem>>
    %dma_wait3A_395 = arith.constant 0 : i32
    %dma_wait3A_396 = tpu.memref_slice %arg5[%dma_wait3A_389, %dma_wait3A_395] : memref<128x50xi32, #tpu.memory_space<vmem>> -> memref<1x50xi32, #tpu.memory_space<vmem>>
    %dma_wait3A_397 = tpu.memref_squeeze %dma_wait3A_396 : memref<1x50xi32, #tpu.memory_space<vmem>> -> memref<50xi32, #tpu.memory_space<vmem>>
    %dma_wait3A_398 = arith.constant 0 : i32
    %dma_wait3A_399 = arith.constant 0 : i32
    %dma_wait3A_400 = tpu.memref_slice %arg2[%dma_wait3A_398, %dma_wait3A_399] : memref<100000x128xf32, #tpu.memory_space<hbm>> -> memref<100000x128xf32, #tpu.memory_space<hbm>>
    tpu.wait_indirect_dma semaphore(%arg13 : memref<!tpu.dma_semaphore, #tpu.memory_space<semaphore_mem>>) src(%dma_wait3A_400 : memref<100000x128xf32, #tpu.memory_space<hbm>>) dst(%dma_wait3A_394 : memref<50x128xf32, #tpu.memory_space<vmem>>)
    %dma_wait3A_401 = arith.constant 127 : i32
    %dma_wait3A_402 = arith.constant 3 : i32
    %dma_wait3A_403 = arith.constant 0 : i32
    %dma_wait3A_404 = arith.constant 0 : i32
    %dma_wait3A_405 = tpu.memref_slice %arg9[%dma_wait3A_402, %dma_wait3A_403, %dma_wait3A_404] : memref<4x50x128xf32, #tpu.memory_space<vmem>> -> memref<1x50x128xf32, #tpu.memory_space<vmem>>
    %dma_wait3A_406 = tpu.memref_squeeze %dma_wait3A_405 : memref<1x50x128xf32, #tpu.memory_space<vmem>> -> memref<50x128xf32, #tpu.memory_space<vmem>>
    %dma_wait3A_407 = arith.constant 0 : i32
    %dma_wait3A_408 = tpu.memref_slice %arg5[%dma_wait3A_401, %dma_wait3A_407] : memref<128x50xi32, #tpu.memory_space<vmem>> -> memref<1x50xi32, #tpu.memory_space<vmem>>
    %dma_wait3A_409 = tpu.memref_squeeze %dma_wait3A_408 : memref<1x50xi32, #tpu.memory_space<vmem>> -> memref<50xi32, #tpu.memory_space<vmem>>
    %dma_wait3A_410 = arith.constant 0 : i32
    %dma_wait3A_411 = arith.constant 0 : i32
    %dma_wait3A_412 = tpu.memref_slice %arg2[%dma_wait3A_410, %dma_wait3A_411] : memref<100000x128xf32, #tpu.memory_space<hbm>> -> memref<100000x128xf32, #tpu.memory_space<hbm>>
    tpu.wait_indirect_dma semaphore(%arg13 : memref<!tpu.dma_semaphore, #tpu.memory_space<semaphore_mem>>) src(%dma_wait3A_412 : memref<100000x128xf32, #tpu.memory_space<hbm>>) dst(%dma_wait3A_406 : memref<50x128xf32, #tpu.memory_space<vmem>>)
    %add3A_413 = arith.constant 124 : i32
    %add3A_414 = arith.addi %mul3A_2, %add3A_413 : i32
    %dma_start3A_415 = arith.constant 0 : i32
    %dma_start3A_416 = arith.constant 0 : i32
    %dma_start3A_417 = tpu.memref_slice %arg4[%add3A_414, %dma_start3A_415, %dma_start3A_416] : memref<4096x50x128xf32, #tpu.memory_space<hbm>> -> memref<4x50x128xf32, #tpu.memory_space<hbm>>
    %dma_start3A_418 = arith.constant 0 : i32
    %dma_start3A_419 = arith.constant 0 : i32
    %dma_start3A_420 = tpu.memref_slice %arg4[%add3A_414, %dma_start3A_418, %dma_start3A_419] : memref<4096x50x128xf32, #tpu.memory_space<hbm>> -> memref<4x50x128xf32, #tpu.memory_space<hbm>>
    tpu.enqueue_dma source(%arg9 : memref<4x50x128xf32, #tpu.memory_space<vmem>>) target(%dma_start3A_420 : memref<4x50x128xf32, #tpu.memory_space<hbm>>) target_semaphore(%arg17 : memref<!tpu.dma_semaphore, #tpu.memory_space<semaphore_mem>>)
    %add3A_421 = arith.constant 112 : i32
    %add3A_422 = arith.addi %mul3A_2, %add3A_421 : i32
    %dma_wait3A_423 = arith.constant 0 : i32
    %dma_wait3A_424 = arith.constant 0 : i32
    %dma_wait3A_425 = tpu.memref_slice %arg4[%add3A_422, %dma_wait3A_423, %dma_wait3A_424] : memref<4096x50x128xf32, #tpu.memory_space<hbm>> -> memref<4x50x128xf32, #tpu.memory_space<hbm>>
    %dma_wait3A_426 = arith.constant 0 : i32
    %dma_wait3A_427 = arith.constant 0 : i32
    %dma_wait3A_428 = tpu.memref_slice %arg4[%add3A_422, %dma_wait3A_426, %dma_wait3A_427] : memref<4096x50x128xf32, #tpu.memory_space<hbm>> -> memref<4x50x128xf32, #tpu.memory_space<hbm>>
    tpu.wait_dma2 semaphore(%arg14 : memref<!tpu.dma_semaphore, #tpu.memory_space<semaphore_mem>>) src(%arg6 : memref<4x50x128xf32, #tpu.memory_space<vmem>>) dst(%dma_wait3A_428 : memref<4x50x128xf32, #tpu.memory_space<hbm>>)
    %add3A_429 = arith.constant 116 : i32
    %add3A_430 = arith.addi %mul3A_2, %add3A_429 : i32
    %dma_wait3A_431 = arith.constant 0 : i32
    %dma_wait3A_432 = arith.constant 0 : i32
    %dma_wait3A_433 = tpu.memref_slice %arg4[%add3A_430, %dma_wait3A_431, %dma_wait3A_432] : memref<4096x50x128xf32, #tpu.memory_space<hbm>> -> memref<4x50x128xf32, #tpu.memory_space<hbm>>
    %dma_wait3A_434 = arith.constant 0 : i32
    %dma_wait3A_435 = arith.constant 0 : i32
    %dma_wait3A_436 = tpu.memref_slice %arg4[%add3A_430, %dma_wait3A_434, %dma_wait3A_435] : memref<4096x50x128xf32, #tpu.memory_space<hbm>> -> memref<4x50x128xf32, #tpu.memory_space<hbm>>
    tpu.wait_dma2 semaphore(%arg15 : memref<!tpu.dma_semaphore, #tpu.memory_space<semaphore_mem>>) src(%arg7 : memref<4x50x128xf32, #tpu.memory_space<vmem>>) dst(%dma_wait3A_436 : memref<4x50x128xf32, #tpu.memory_space<hbm>>)
    %add3A_437 = arith.constant 120 : i32
    %add3A_438 = arith.addi %mul3A_2, %add3A_437 : i32
    %dma_wait3A_439 = arith.constant 0 : i32
    %dma_wait3A_440 = arith.constant 0 : i32
    %dma_wait3A_441 = tpu.memref_slice %arg4[%add3A_438, %dma_wait3A_439, %dma_wait3A_440] : memref<4096x50x128xf32, #tpu.memory_space<hbm>> -> memref<4x50x128xf32, #tpu.memory_space<hbm>>
    %dma_wait3A_442 = arith.constant 0 : i32
    %dma_wait3A_443 = arith.constant 0 : i32
    %dma_wait3A_444 = tpu.memref_slice %arg4[%add3A_438, %dma_wait3A_442, %dma_wait3A_443] : memref<4096x50x128xf32, #tpu.memory_space<hbm>> -> memref<4x50x128xf32, #tpu.memory_space<hbm>>
    tpu.wait_dma2 semaphore(%arg16 : memref<!tpu.dma_semaphore, #tpu.memory_space<semaphore_mem>>) src(%arg8 : memref<4x50x128xf32, #tpu.memory_space<vmem>>) dst(%dma_wait3A_444 : memref<4x50x128xf32, #tpu.memory_space<hbm>>)
    %add3A_445 = arith.constant 124 : i32
    %add3A_446 = arith.addi %mul3A_2, %add3A_445 : i32
    %dma_wait3A_447 = arith.constant 0 : i32
    %dma_wait3A_448 = arith.constant 0 : i32
    %dma_wait3A_449 = tpu.memref_slice %arg4[%add3A_446, %dma_wait3A_447, %dma_wait3A_448] : memref<4096x50x128xf32, #tpu.memory_space<hbm>> -> memref<4x50x128xf32, #tpu.memory_space<hbm>>
    %dma_wait3A_450 = arith.constant 0 : i32
    %dma_wait3A_451 = arith.constant 0 : i32
    %dma_wait3A_452 = tpu.memref_slice %arg4[%add3A_446, %dma_wait3A_450, %dma_wait3A_451] : memref<4096x50x128xf32, #tpu.memory_space<hbm>> -> memref<4x50x128xf32, #tpu.memory_space<hbm>>
    tpu.wait_dma2 semaphore(%arg17 : memref<!tpu.dma_semaphore, #tpu.memory_space<semaphore_mem>>) src(%arg9 : memref<4x50x128xf32, #tpu.memory_space<vmem>>) dst(%dma_wait3A_452 : memref<4x50x128xf32, #tpu.memory_space<hbm>>)
    return
  }
}

</mosaic_0001>

<sc_bundles>
// kernel: _emb_lookup.3.cloned.1.call-start
scs
__scs_entry_jumppad:
0x0: {  	(pc) =	sbr.rel $0x88, $3  }
0x1: {  	(tag) =	ssettag $0x0;
	lr =	simm.s32 $0x1  }
0x2: {  	[smem:$0x3F9F] =	sst lr;
	_ =	strace $0xD0000000  }
0x3: {  	_ = 	snop  }
0x4: {  	_ = 	snop  }
0x5: {  	_ = 	snop  }
0x6: {  	_ = 	snop  }
0x7: {  	_ = 	snop  }
__scs_overlays_trampoline_lowered:
0x8: {  	[smem:$0x3FAE] =	sst s0  }
0x9: {  	[smem:$0x3FAF] =	sst s1  }
0xa: {  	[smem:$0x3FB0] =	sst s2  }
0xb: {  	[smem:$0x3FB1] =	sst s3  }
0xc: {  	[smem:$0x3FB2] =	sst s4  }
0xd: {  	[smem:$0x3FB3] =	sst s5  }
0xe: {  	[smem:$0x3FB4] =	sst s6  }
0xf: {  	[smem:$0x3FB5] =	sst s7  }
0x10: {  	[smem:$0x3FB6] =	sst s8  }
0x11: {  	[smem:$0x3FB7] =	sst s9;
	s0 =	simm.s32 @!p0 $0x0  }
0x12: {  	s1 =	sld [smem:$0x3F9D];
	s0 =	simm.s32 @p0 $0x1  }
0x13: {  	[smem:$0x3FB8] =	sst s0;
	s0 =	simm.s32 @!p1 $0x0  }
0x14: {  	s2 =	sld [smem:$0x3F9C];
	s0 =	simm.s32 @p1 $0x1  }
0x15: {  	[smem:$0x3FB9] =	sst s0;
	s0 =	simm.s32 @!p2 $0x0  }
0x16: {  	s3 =	sld [smem:$0x3FDB];
	s0 =	simm.s32 @p2 $0x1  }
0x17: {  	s4 =	simm.s32 $0x1BF5;
	[smem:$0x3FBB] =	sst s0  }
0x18: {  	s0 =	sld [smem:$0x3F9E];
	_ =	swait.ge [sflag:s4], $0x0  }
0x19: {  	s7 =	sld [smem:$0x3F9F]  }
0x1a: {  	s8 =	sadd.s32 $0xFFFFE003, lr  }
0x1b: {  	s9 =	sadd.s32 $0xFFFFFEF7, lr;
	s5 =	simm.s32 $0xFFFFFFFF;
	p2 =	slt.u32 s8, $0xFFFFF086  }
0x1c: {  	p1 =	slt.u32 s9, $0xF7A;
	s5 =	simm.s32 @!p2 $0x0  }
0x1d: {  	s5 =	simm.s32 @p1 $0x1;
	p0 =	seq.s32 s7, s2  }
0x1e: {  	s7 =	smul.u32 @!p0 $0xF7A, s2;
	p2 =	seq.s32 @!p0 s5, $0x0  }
0x1f: {  	s9 =	smul.u32 $0xF7A, s1;
	s8 =	simm.s32 @!p0 $0x1BF5;
	p2 =	por !p2, p0  }
0x20: {  	[sflag:s8] =	ssyncset.s32 @!p0 $0xFFFFF086;
	s6 =	sadd.s32 @!p0 s3, s7;
	s7 =	simm.s32 @!p0 $0x108  }
0x21: {  	s3 =	sadd.s32 s3, s9;
	s6 =	sadd.s32 @!p0 $0x88, s6;
	s7 =	simm.s32 @p2 $0x1082  }
0x22: {  	[simem:s7], [sflag:s8] =	dma.local @!p0 [hbm:s6], $0xF7A  }
0x23: {  	s9 =	sor.u32 $0xD0000000, s2;
	s6 =	simm.s32 $0x108;
	_ =	swait.ge @!p0 [sflag:s8], $0x0  }
0x24: {  	s3 =	sadd.s32 $0x88, s3;
	s6 =	simm.s32 @!p1 $0x1082;
	[sflag:s4] =	ssyncset.s32 $0xFFFFF086  }
0x25: {  	[simem:s6], [sflag:s4] =	dma.local [hbm:s3], $0xF7A  }
0x26: {  	[smem:$0x3F9F] =	sst s1;
	(tag) =	ssettag s2;
	_ =	strace s9  }
0x27: {  	s1 =	sld [smem:$0x3FAF]  }
0x28: {  	s2 =	sld [smem:$0x3FB0]  }
0x29: {  	s4 =	sld [smem:$0x3FB2]  }
0x2a: {  	p0 =	seq.s32 s5, $0x0;
	s5 =	sld [smem:$0x3FB3]  }
0x2b: {  	s6 =	sld [smem:$0x3FB4]  }
0x2c: {  	s7 =	sld [smem:$0x3FB5]  }
0x2d: {  	s3 =	simm.s32 $0x108;
	s8 =	sld [smem:$0x3FB6]  }
0x2e: {  	s3 =	simm.s32 @!p0 $0x1082;
	s9 =	sld [smem:$0x3FB7]  }
0x2f: {  	lr =	sadd.s32 s0, s3;
	s0 =	sld [smem:$0x3FAE]  }
0x30: {  	s3 =	sld [smem:$0x3FB1]  }
0x31: {  	[smem:$0x3FBA] =	sst s10  }
0x32: {  	s10 =	sld [smem:$0x3FB8];
	_ =	sdelay $0x3  }
0x33: {  	p0 =	seq.s32 s10, $0x1;
	s10 =	sld [smem:$0x3FBA];
	_ =	sdelay $0x3  }
0x34: {  	[smem:$0x3FBA] =	sst s10  }
0x35: {  	s10 =	sld [smem:$0x3FB9];
	_ =	sdelay $0x3  }
0x36: {  	p1 =	seq.s32 s10, $0x1;
	s10 =	sld [smem:$0x3FBA];
	_ =	sdelay $0x3  }
0x37: {  	[smem:$0x3FBA] =	sst s10  }
0x38: {  	s10 =	sld [smem:$0x3FBB]  }
0x39: {  	_ = 	snop;
	(pc) =	sbr.ind lr, $3  }
0x3a: {  	_ = 	snop  }
0x3b: {  	_ = 	snop  }
0x3c: {  	p2 =	seq.s32 s10, $0x1;
	s10 =	sld [smem:$0x3FBA]  }
0x3d: {  	_ =	shalt  }
0x3e: {  	_ =	shalt  }
0x3f: {  	_ =	shalt  }
0x40: {  	_ =	shalt  }
0x41: {  	_ =	shalt  }
0x42: {  	_ =	shalt  }
0x43: {  	_ =	shalt  }
0x44: {  	_ =	shalt  }
0x45: {  	_ =	shalt  }
0x46: {  	_ =	shalt  }
0x47: {  	_ =	shalt  }
0x48: {  	_ =	shalt  }
0x49: {  	_ =	shalt  }
0x4a: {  	_ =	shalt  }
0x4b: {  	_ =	shalt  }
0x4c: {  	_ =	shalt  }
0x4d: {  	_ =	shalt  }
0x4e: {  	_ =	shalt  }
0x4f: {  	_ =	shalt  }
0x50: {  	_ =	shalt  }
0x51: {  	_ =	shalt  }
0x52: {  	_ =	shalt  }
0x53: {  	_ =	shalt  }
0x54: {  	_ =	shalt  }
0x55: {  	_ =	shalt  }
0x56: {  	_ =	shalt  }
0x57: {  	_ =	shalt  }
0x58: {  	_ =	shalt  }
0x59: {  	_ =	shalt  }
0x5a: {  	_ =	shalt  }
0x5b: {  	_ =	shalt  }
0x5c: {  	_ =	shalt  }
0x5d: {  	_ =	shalt  }
0x5e: {  	_ =	shalt  }
0x5f: {  	_ =	shalt  }
0x60: {  	_ =	shalt  }
0x61: {  	_ =	shalt  }
0x62: {  	_ =	shalt  }
0x63: {  	_ =	shalt  }
0x64: {  	_ =	shalt  }
0x65: {  	_ =	shalt  }
0x66: {  	_ =	shalt  }
0x67: {  	_ =	shalt  }
0x68: {  	_ =	shalt  }
0x69: {  	_ =	shalt  }
0x6a: {  	_ =	shalt  }
0x6b: {  	_ =	shalt  }
0x6c: {  	_ =	shalt  }
0x6d: {  	_ =	shalt  }
0x6e: {  	_ =	shalt  }
0x6f: {  	_ =	shalt  }
0x70: {  	_ =	shalt  }
0x71: {  	_ =	shalt  }
0x72: {  	_ =	shalt  }
0x73: {  	_ =	shalt  }
0x74: {  	_ =	shalt  }
0x75: {  	_ =	shalt  }
0x76: {  	_ =	shalt  }
0x77: {  	_ =	shalt  }
0x78: {  	_ =	shalt  }
0x79: {  	_ =	shalt  }
0x7a: {  	_ =	shalt  }
0x7b: {  	_ =	shalt  }
0x7c: {  	_ =	shalt  }
0x7d: {  	_ =	shalt  }
0x7e: {  	_ =	shalt  }
0x7f: {  	_ =	shalt  }
0x80: {  	_ =	shalt  }
0x81: {  	_ =	shalt  }
0x82: {  	_ =	shalt  }
0x83: {  	_ =	shalt  }
0x84: {  	_ =	shalt  }
0x85: {  	_ =	shalt  }
0x86: {  	_ =	shalt  }
0x87: {  	_ =	shalt  }
.Lfunc_end0:
.L_simem_size_0:
called_computation_lowered:
.L_overlay_start_0:
0x88: {  	s2 =	sld [smem:$0x3FD9]  }
0x89: {  	s3 =	sld [smem:$0x3FFE];
	_ =	sdelay $0x1  }
0x8a: {  	s1 =	srdreg.scid  }
0x8b: {  	s0 =	sand.u32 $0x1, s1  }
0x8c: {  	s17 =	sshll.u32 s0, $0xA;
	s2 =	sadd.s32 s3, s2  }
0x8d: {  	s2 =	sadd.s32 s2, s17  }
0x8e: {  	[smem:$0x3FC6] =	sst s2  }
0x8f: {  	_ = 	snop  }
0x90: {  	s2 =	sld [smem:$0x3FC8]  }
0x91: {  	s18 =	sld [smem:$0x3FD0];
	(tm) =	ssettm $0x1  }
0x92: {  	s4 =	sld [smem:$0x3FFB];
	_ =	sdelay $0x3  }
0x93: {  	_ =	strace s4  }
0x94: {  	s4 =	sld [smem:$0x3FFC];
	_ =	sdelay $0x3  }
0x95: {  	_ =	strace s4  }
0x96: {  	s4 =	sld [smem:$0x3FFD];
	_ =	sdelay $0x3  }
0x97: {  	_ =	strace s4  }
0x98: {  	_ =	strace $0x8FFFFFFF  }
0x99: {  	s19 =	sld [smem:$0x3FDB];
	_ =	sdelay $0x1  }
0x9a: {  	s5 =	simm.s32 $_scs_section_size  }
0x9b: {  	s6 =	simm.s32 $_size__tile_overlayer_lowered;
	s7 =	simm.s32 $_tile_overlayer_lowered  }
0x9c: {  	s22 =	simm.s32 $0x1BFF;
	s21 =	sshll.u32 s7, $0x1;
	s4 =	sadd.s32 s5, s19  }
0x9d: {  	s8 =	simm.s32 $0x0;
	s20 =	sshll.u32 s6, $0x1;
	s6 =	sadd.s32 s21, s4  }
0x9e: {  	[timem:s8], [sflag:s22] =	dma.local [hbm:s6], s20  }
0x9f: {  	_ =	swait.ge [sflag:s22], s20  }
0xa0: {  	s5 =	ssub.s32 $0x0, s20;
	[sflag:s22] =	ssyncset.done $0x0  }
0xa1: {  	[sflag:s22] =	ssyncadd.s32 s5;
	_ =	sdelay $0x1  }
0xa2: {  	s23 =	simm.s32 $0x1B8B  }
0xa3: {  	_ =	swait.ge [sflag:s23], $0x1  }
0xa4: {  	[sflag:s23] =	ssyncset.done $0x0  }
0xa5: {  	s25 =	simm.s32 $0x1B8E;
	s24 =	sld [smem:$0x3FFE];
	[sflag:s23] =	ssyncadd.s32 $0xFFFFFFFF  }
0xa6: {  	s26 =	simm.s32 $execute0_lowered;
	[smem:$0x3FD2] =	sst s25  }
0xa7: {  	s6 =	sshll.u32 s26, $0x1;
	_ =	strace $0x80000046;
	[dreg:$0x1] =	wrdreg $0xFFFFFFFF  }
0xa8: {  	s28 =	simm.s32 $_size_execute0_lowered;
	s4 =	sadd.s32 s4, s6;
	[dreg:$0x0] =	wrdreg $0x0  }
0xa9: {  	s6 =	sshll.u32 s28, $0x1;
	[dreg:$0x2] =	wrdreg s4  }
0xaa: {  	[dreg:$0x3] =	wrdreg s6  }
0xab: {  	[dreg:$0x4] =	wrdreg $0xC0  }
0xac: {  	_ =	task [dreg:s8], $0x5FFFF  }
0xad: {  	[dreg:$0x1] =	wrdreg $0xFFFFFFFF  }
0xae: {  	[dreg:$0x0] =	wrdreg $0x60  }
0xaf: {  	[dreg:$0x2] =	wrdreg s2  }
0xb0: {  	[dreg:$0x3] =	wrdreg s18  }
0xb1: {  	[dreg:$0x4] =	wrdreg s24  }
0xb2: {  	[dreg:$0x5] =	wrdreg $0x9  }
0xb3: {  	_ =	task.clear_ibuf [dreg:s8], $0x6FFFF;
	_ =	strace $0x90000046  }
0xb4: {  	s29 =	simm.s32 $0x9;
	_ =	strace $0x80000048  }
0xb5: {  	_ =	swait.ge [sflag:s29], $0x1  }
0xb6: {  	[sflag:s29] =	ssyncadd.s32 $0xFFFFFFFF  }
0xb7: {  	_ =	strace $0x90000048  }
0xb8: {  	_ =	sfence  }
0xb9: {  	s30 =	sld [smem:$0x0];
	_ =	sdelay $0x2  }
0xba: {  	s31 =	sshll.u32 s1, $0xD;
	s1 =	sshrl.u32 s1, $0x2  }
0xbb: {  	s3 =	sand.u32 $0x4000, s31;
	s1 =	sadd.s32 s1, s30  }
0xbc: {  	s0 =	sor.u32 s3, s0;
	s1 =	sshll.u32 s1, $0x11  }
0xbd: {  	s0 =	sor.u32 s1, s0  }
0xbe: {  	s0 =	sadd.s32 $0x8F2B, s0  }
0xbf: {  	[sflag:s0] =	ssyncadd.remote.s32 $0x1  }
0xc0: {  	_ =	sfence.sel $0xFFFF  }
0xc1: {  	[dreg:$0x0] =	wrdreg $0xFFFFFFFF;
	(pc) =	sbr.abs _section_cstart, $3  }
0xc2: {  	[dreg:$0x1] =	wrdreg $0xFFFFFFFF  }
0xc3: {  	_ =	task.clear_ibuf [dreg:s8], $0x2FFFF;
	_ =	strace $0x9FFFFFFF  }
0xc4: {  	(tm) =	ssettm $0x7FFFFFFF  }
0xc5: {  	_ =	shalt  }
tec
execute0_lowered:
.L_overlay_start_1:
0x0: {  	(tag) =	ssettag $0x1  }
0x1: {  	s1 =	rddreg [dreg:$0x0]  }
0x2: {  	s0 =	rddreg [dreg:$0x1]  }
0x3: {  	s2 =	rddreg [dreg:$0x2]  }
0x4: {  	s3 =	srdreg.scid;
	s10 =	stileid.u32  }
0x5: {  	s12 =	simm.s32 $0x32;
	s13 =	simm.s32 $0x4000;
	s15 =	simm.s32 $0x5C00  }
0x6: {  	s17 =	simm.s32 $0x7800;
	s19 =	simm.s32 $0x9400;
	s28 =	simm.s32 $0x10400  }
0x7: {  	s30 =	simm.s32 $0x12000;
	s14 =	simm.s32 $0x15800;
	s18 =	simm.s32 $0x17400  }
0x8: {  	s29 =	simm.s32 $0x1AC00;
	s31 =	simm.s32 $0x5;
	s16 =	simm.s32 $0x3  }
0x9: {  	s11 =	simm.s32 $0x7;
	s4 =	sand.u32 $0x1, s3;
	s3 =	simm.s32 $0x0  }
0xa: {  	s5 =	sshll.u32 s10, $0x8;
	s21 =	smul.u32 $0x38000, s10;
	s6 =	sshll.u32 s4, $0x7  }
0xb: {  	s20 =	ssub.s32 $0x2, s4;
	s4 =	smul.u32 $0x1C000, s4;
	s5 =	sor.u32 s6, s5  }
0xc: {  	s2 =	sadd.s32 $0x400, s2;
	[smem:$0x7FF] =	sst s3;
	s7 =	smul.u32 $0x380, s5  }
0xd: {  	_ =	strace $0x80000047;
	s8 =	sshrl.u32 s20, $0x1;
	s9 =	smul.u32 $0x1C00, s5  }
0xe: {  	s6 =	ssub.s32 s20, s8;
	s5 =	sshll.u32 s5, $0x4;
	s20 =	simm.s32 $0x1  }
0xf: {  	s0 =	sadd.s32 s0, s5;
	s25 =	smax.u32 s6, $0x1;
	s6 =	simm.s32 $0x8  }
0x10: {  	[dreg:$0x4] =	wrdreg s0;
	s22 =	sshrl.u32 s9, $0x3;
	s23 =	sadd.s32 s2, s7  }
0x11: {  	[dreg:$0x9] =	wrdreg s25;
	s25 =	simm.s32 $0xE800;
	s9 =	simm.s32 $0x4  }
0x12: {  	s7 =	simm.s32 $0x0;
	s0 =	sadd.s32 s2, s22;
	s2 =	sadd.s32 s21, s2  }
0x13: {  	[dreg:$0x5] =	wrdreg s23;
	s5 =	sadd.s32 $0xE00, s23;
	s21 =	simm.s32 $0xB000  }
0x14: {  	s23 =	simm.s32 $0xCC00;
	[dreg:$0x6] =	wrdreg s5;
	s24 =	sadd.s32 $0x1A400, s0  }
0x15: {  	s22 =	simm.s32 $0x1E400;
	s0 =	sadd.s32 $0x1B200, s0;
	[dreg:$0x7] =	wrdreg s24  }
0x16: {  	s2 =	sadd.s32 s4, s2;
	s4 =	simm.s32 $0x6;
	[dreg:$0x8] =	wrdreg s0  }
0x17: {  	s26 =	sadd.s32 $0x2A00, s2;
	s0 =	simm.s32 $0x13C00;
	s24 =	simm.s32 $0x19000  }
0x18: {  	s2 =	simm.s32 $0x1C800;
	[dreg:$0xa] =	wrdreg s26;
	s26 =	simm.s32 $0x2  }
.LBB2_1:
0x19: {  	[dreg:$0xb] =	wrdreg s7  }
0x1a: {  	s5 =	rddreg [dreg:$0x4];
	s10 =	simm.s32 $0x9  }
0x1b: {  	[tilespmem:s3], [sflag:$0x9] =	stream.linear.gather [hbm4b:s5+s3], $0x4000, $0x38;
	v63 =	vld [tilespmem:$0x0]  }
0x1c: {  	_ =	swait.ge [sflag:s10], $0x4000  }
0x1d: {  	[sflag:s10] =	ssyncset.done $0x0  }
0x1e: {  	[sflag:s10] =	ssyncadd.s32 $0xFFFFC000  }
0x1f: {  	[tilespmem:s13], [sflag:$0x1] =	stream.indirect.gather [hbm4b:s1+s12], $0x80, s3, s12, $0xb8;
	v63 =	vld [tilespmem:$0x0]  }
0x20: {  	s7 =	simm.s32 $0x80  }
0x21: {  	[tilespmem:s15], [sflag:$0x1] =	stream.indirect.gather [hbm4b:s1+s12], $0x80, s7, s12, $0xb8;
	v63 =	vld [tilespmem:$0x0]  }
0x22: {  	s8 =	simm.s32 $0x100  }
0x23: {  	[tilespmem:s17], [sflag:$0x1] =	stream.indirect.gather [hbm4b:s1+s12], $0x80, s8, s12, $0xb8;
	v63 =	vld [tilespmem:$0x0]  }
0x24: {  	s10 =	simm.s32 $0x180  }
0x25: {  	[tilespmem:s19], [sflag:$0x1] =	stream.indirect.gather [hbm4b:s1+s12], $0x80, s10, s12, $0xb8;
	v63 =	vld [tilespmem:$0x0]  }
0x26: {  	s7 =	simm.s32 $0x200  }
0x27: {  	[tilespmem:s21], [sflag:$0x2] =	stream.indirect.gather [hbm4b:s1+s12], $0x80, s7, s12, $0xb8;
	v63 =	vld [tilespmem:$0x0]  }
0x28: {  	s8 =	simm.s32 $0x280  }
0x29: {  	[tilespmem:s23], [sflag:$0x2] =	stream.indirect.gather [hbm4b:s1+s12], $0x80, s8, s12, $0xb8;
	v63 =	vld [tilespmem:$0x0]  }
0x2a: {  	s10 =	simm.s32 $0x300  }
0x2b: {  	[tilespmem:s25], [sflag:$0x2] =	stream.indirect.gather [hbm4b:s1+s12], $0x80, s10, s12, $0xb8;
	v63 =	vld [tilespmem:$0x0]  }
0x2c: {  	s7 =	simm.s32 $0x380  }
0x2d: {  	[tilespmem:s28], [sflag:$0x2] =	stream.indirect.gather [hbm4b:s1+s12], $0x80, s7, s12, $0xb8;
	v63 =	vld [tilespmem:$0x0]  }
0x2e: {  	s8 =	simm.s32 $0x400  }
0x2f: {  	[tilespmem:s30], [sflag:$0x3] =	stream.indirect.gather [hbm4b:s1+s12], $0x80, s8, s12, $0xb8;
	v63 =	vld [tilespmem:$0x0]  }
0x30: {  	s10 =	simm.s32 $0x480  }
0x31: {  	[tilespmem:s0], [sflag:$0x3] =	stream.indirect.gather [hbm4b:s1+s12], $0x80, s10, s12, $0xb8;
	v63 =	vld [tilespmem:$0x0]  }
0x32: {  	s7 =	simm.s32 $0x500  }
0x33: {  	[tilespmem:s14], [sflag:$0x3] =	stream.indirect.gather [hbm4b:s1+s12], $0x80, s7, s12, $0xb8;
	v63 =	vld [tilespmem:$0x0]  }
0x34: {  	s8 =	simm.s32 $0x580  }
0x35: {  	[tilespmem:s18], [sflag:$0x3] =	stream.indirect.gather [hbm4b:s1+s12], $0x80, s8, s12, $0xb8;
	v63 =	vld [tilespmem:$0x0]  }
0x36: {  	_ =	swait.ge [sflag:s20], $0x1900  }
0x37: {  	[sflag:s20] =	ssyncset.done $0x0  }
0x38: {  	[sflag:s20] =	ssyncadd.s32 $0xFFFFE700  }
0x39: {  	_ =	swait.ge [sflag:s20], $0x1900  }
0x3a: {  	[sflag:s20] =	ssyncset.done $0x0  }
0x3b: {  	[sflag:s20] =	ssyncadd.s32 $0xFFFFE700  }
0x3c: {  	_ =	swait.ge [sflag:s20], $0x1900  }
0x3d: {  	[sflag:s20] =	ssyncset.done $0x0  }
0x3e: {  	[sflag:s20] =	ssyncadd.s32 $0xFFFFE700  }
0x3f: {  	_ =	swait.ge [sflag:s20], $0x1900  }
0x40: {  	[sflag:s20] =	ssyncset.done $0x0  }
0x41: {  	s7 =	rddreg [dreg:$0x5];
	[sflag:s20] =	ssyncadd.s32 $0xFFFFE700  }
0x42: {  	[hbm4b:s7+s3] =	stream.linear.scatter [tilespmem:s13], [sflag:$0x5], $0x1900, $0x38;
	v63 =	vld [tilespmem:$0x0]  }
0x43: {  	s10 =	sadd.s32 $0x380, s7  }
0x44: {  	[hbm4b:s10+s3] =	stream.linear.scatter [tilespmem:s15], [sflag:$0x5], $0x1900, $0x38;
	v63 =	vld [tilespmem:$0x0]  }
0x45: {  	s8 =	sadd.s32 $0x700, s7  }
0x46: {  	[hbm4b:s8+s3] =	stream.linear.scatter [tilespmem:s17], [sflag:$0x5], $0x1900, $0x38;
	v63 =	vld [tilespmem:$0x0]  }
0x47: {  	s10 =	sadd.s32 $0xA80, s7  }
0x48: {  	[hbm4b:s10+s3] =	stream.linear.scatter [tilespmem:s19], [sflag:$0x5], $0x1900, $0x38;
	v63 =	vld [tilespmem:$0x0]  }
0x49: {  	s7 =	simm.s32 $0x600  }
0x4a: {  	[tilespmem:s24], [sflag:$0x4] =	stream.indirect.gather [hbm4b:s1+s12], $0x80, s7, s12, $0xb8;
	v63 =	vld [tilespmem:$0x0]  }
0x4b: {  	s8 =	simm.s32 $0x680  }
0x4c: {  	[tilespmem:s29], [sflag:$0x4] =	stream.indirect.gather [hbm4b:s1+s12], $0x80, s8, s12, $0xb8;
	v63 =	vld [tilespmem:$0x0]  }
0x4d: {  	s10 =	simm.s32 $0x700  }
0x4e: {  	[tilespmem:s2], [sflag:$0x4] =	stream.indirect.gather [hbm4b:s1+s12], $0x80, s10, s12, $0xb8;
	v63 =	vld [tilespmem:$0x0]  }
0x4f: {  	s7 =	simm.s32 $0x780  }
0x50: {  	[tilespmem:s22], [sflag:$0x4] =	stream.indirect.gather [hbm4b:s1+s12], $0x80, s7, s12, $0xb8;
	v63 =	vld [tilespmem:$0x0]  }
0x51: {  	_ =	swait.ge [sflag:s26], $0x1900  }
0x52: {  	[sflag:s26] =	ssyncset.done $0x0  }
0x53: {  	[sflag:s26] =	ssyncadd.s32 $0xFFFFE700  }
0x54: {  	_ =	swait.ge [sflag:s26], $0x1900  }
0x55: {  	[sflag:s26] =	ssyncset.done $0x0  }
0x56: {  	[sflag:s26] =	ssyncadd.s32 $0xFFFFE700  }
0x57: {  	_ =	swait.ge [sflag:s26], $0x1900  }
0x58: {  	[sflag:s26] =	ssyncset.done $0x0  }
0x59: {  	[sflag:s26] =	ssyncadd.s32 $0xFFFFE700  }
0x5a: {  	_ =	swait.ge [sflag:s26], $0x1900  }
0x5b: {  	[sflag:s26] =	ssyncset.done $0x0  }
0x5c: {  	s7 =	rddreg [dreg:$0x6];
	[sflag:s26] =	ssyncadd.s32 $0xFFFFE700  }
0x5d: {  	[hbm4b:s7+s3] =	stream.linear.scatter [tilespmem:s21], [sflag:$0x6], $0x1900, $0x38;
	v63 =	vld [tilespmem:$0x0]  }
0x5e: {  	s8 =	sadd.s32 $0x380, s7  }
0x5f: {  	[hbm4b:s8+s3] =	stream.linear.scatter [tilespmem:s23], [sflag:$0x6], $0x1900, $0x38;
	v63 =	vld [tilespmem:$0x0]  }
0x60: {  	s10 =	sadd.s32 $0x700, s7  }
0x61: {  	[hbm4b:s10+s3] =	stream.linear.scatter [tilespmem:s25], [sflag:$0x6], $0x1900, $0x38;
	v63 =	vld [tilespmem:$0x0]  }
0x62: {  	s8 =	sadd.s32 $0xA80, s7  }
0x63: {  	[hbm4b:s8+s3] =	stream.linear.scatter [tilespmem:s28], [sflag:$0x6], $0x1900, $0x38;
	v63 =	vld [tilespmem:$0x0]  }
0x64: {  	_ =	swait.ge [sflag:s31], $0x6400  }
0x65: {  	[sflag:s31] =	ssyncset.done $0x0  }
0x66: {  	s10 =	simm.s32 $0x800;
	[sflag:s31] =	ssyncadd.s32 $0xFFFF9C00  }
0x67: {  	[tilespmem:s13], [sflag:$0x1] =	stream.indirect.gather [hbm4b:s1+s12], $0x80, s10, s12, $0xb8;
	v63 =	vld [tilespmem:$0x0]  }
0x68: {  	s7 =	simm.s32 $0x880  }
0x69: {  	[tilespmem:s15], [sflag:$0x1] =	stream.indirect.gather [hbm4b:s1+s12], $0x80, s7, s12, $0xb8;
	v63 =	vld [tilespmem:$0x0]  }
0x6a: {  	s8 =	simm.s32 $0x900  }
0x6b: {  	[tilespmem:s17], [sflag:$0x1] =	stream.indirect.gather [hbm4b:s1+s12], $0x80, s8, s12, $0xb8;
	v63 =	vld [tilespmem:$0x0]  }
0x6c: {  	s10 =	simm.s32 $0x980  }
0x6d: {  	[tilespmem:s19], [sflag:$0x1] =	stream.indirect.gather [hbm4b:s1+s12], $0x80, s10, s12, $0xb8;
	v63 =	vld [tilespmem:$0x0]  }
0x6e: {  	_ =	swait.ge [sflag:s16], $0x1900  }
0x6f: {  	[sflag:s16] =	ssyncset.done $0x0  }
0x70: {  	[sflag:s16] =	ssyncadd.s32 $0xFFFFE700  }
0x71: {  	_ =	swait.ge [sflag:s16], $0x1900  }
0x72: {  	[sflag:s16] =	ssyncset.done $0x0  }
0x73: {  	[sflag:s16] =	ssyncadd.s32 $0xFFFFE700  }
0x74: {  	_ =	swait.ge [sflag:s16], $0x1900  }
0x75: {  	[sflag:s16] =	ssyncset.done $0x0  }
0x76: {  	[sflag:s16] =	ssyncadd.s32 $0xFFFFE700  }
0x77: {  	_ =	swait.ge [sflag:s16], $0x1900  }
0x78: {  	[sflag:s16] =	ssyncset.done $0x0;
	s8 =	rddreg [dreg:$0xa]  }
0x79: {  	[sflag:s16] =	ssyncadd.s32 $0xFFFFE700;
	s7 =	sadd.s32 $0xFFFFF200, s8  }
0x7a: {  	[hbm4b:s7+s3] =	stream.linear.scatter [tilespmem:s30], [sflag:$0x7], $0x1900, $0x38;
	v63 =	vld [tilespmem:$0x0]  }
0x7b: {  	s10 =	sadd.s32 $0xFFFFF580, s8  }
0x7c: {  	[hbm4b:s10+s3] =	stream.linear.scatter [tilespmem:s0], [sflag:$0x7], $0x1900, $0x38;
	v63 =	vld [tilespmem:$0x0]  }
0x7d: {  	s7 =	sadd.s32 $0xFFFFF900, s8  }
0x7e: {  	[hbm4b:s7+s3] =	stream.linear.scatter [tilespmem:s14], [sflag:$0x7], $0x1900, $0x38;
	v63 =	vld [tilespmem:$0x0]  }
0x7f: {  	s10 =	sadd.s32 $0xFFFFFC80, s8  }
0x80: {  	[hbm4b:s10+s3] =	stream.linear.scatter [tilespmem:s18], [sflag:$0x7], $0x1900, $0x38;
	v63 =	vld [tilespmem:$0x0]  }
0x81: {  	_ =	swait.ge [sflag:s4], $0x6400  }
0x82: {  	[sflag:s4] =	ssyncset.done $0x0  }
0x83: {  	s7 =	simm.s32 $0xA00;
	[sflag:s4] =	ssyncadd.s32 $0xFFFF9C00  }
0x84: {  	[tilespmem:s21], [sflag:$0x2] =	stream.indirect.gather [hbm4b:s1+s12], $0x80, s7, s12, $0xb8;
	v63 =	vld [tilespmem:$0x0]  }
0x85: {  	s10 =	simm.s32 $0xA80  }
0x86: {  	[tilespmem:s23], [sflag:$0x2] =	stream.indirect.gather [hbm4b:s1+s12], $0x80, s10, s12, $0xb8;
	v63 =	vld [tilespmem:$0x0]  }
0x87: {  	s7 =	simm.s32 $0xB00  }
0x88: {  	[tilespmem:s25], [sflag:$0x2] =	stream.indirect.gather [hbm4b:s1+s12], $0x80, s7, s12, $0xb8;
	v63 =	vld [tilespmem:$0x0]  }
0x89: {  	s10 =	simm.s32 $0xB80  }
0x8a: {  	[tilespmem:s28], [sflag:$0x2] =	stream.indirect.gather [hbm4b:s1+s12], $0x80, s10, s12, $0xb8;
	v63 =	vld [tilespmem:$0x0]  }
0x8b: {  	_ =	swait.ge [sflag:s9], $0x1900  }
0x8c: {  	[sflag:s9] =	ssyncset.done $0x0  }
0x8d: {  	[sflag:s9] =	ssyncadd.s32 $0xFFFFE700  }
0x8e: {  	_ =	swait.ge [sflag:s9], $0x1900  }
0x8f: {  	[sflag:s9] =	ssyncset.done $0x0  }
0x90: {  	[sflag:s9] =	ssyncadd.s32 $0xFFFFE700  }
0x91: {  	_ =	swait.ge [sflag:s9], $0x1900  }
0x92: {  	[sflag:s9] =	ssyncset.done $0x0  }
0x93: {  	[sflag:s9] =	ssyncadd.s32 $0xFFFFE700  }
0x94: {  	_ =	swait.ge [sflag:s9], $0x1900  }
0x95: {  	[sflag:s9] =	ssyncset.done $0x0  }
0x96: {  	[sflag:s9] =	ssyncadd.s32 $0xFFFFE700  }
0x97: {  	[hbm4b:s8+s3] =	stream.linear.scatter [tilespmem:s24], [sflag:$0x8], $0x1900, $0x38;
	v63 =	vld [tilespmem:$0x0]  }
0x98: {  	s7 =	sadd.s32 $0x380, s8  }
0x99: {  	[hbm4b:s7+s3] =	stream.linear.scatter [tilespmem:s29], [sflag:$0x8], $0x1900, $0x38;
	v63 =	vld [tilespmem:$0x0]  }
0x9a: {  	s10 =	sadd.s32 $0x700, s8  }
0x9b: {  	[hbm4b:s10+s3] =	stream.linear.scatter [tilespmem:s2], [sflag:$0x8], $0x1900, $0x38;
	v63 =	vld [tilespmem:$0x0]  }
0x9c: {  	s7 =	sadd.s32 $0xA80, s8  }
0x9d: {  	[hbm4b:s7+s3] =	stream.linear.scatter [tilespmem:s22], [sflag:$0x8], $0x1900, $0x38;
	v63 =	vld [tilespmem:$0x0]  }
0x9e: {  	_ =	swait.ge [sflag:s11], $0x6400  }
0x9f: {  	[sflag:s11] =	ssyncset.done $0x0  }
0xa0: {  	s10 =	simm.s32 $0xC00;
	[sflag:s11] =	ssyncadd.s32 $0xFFFF9C00  }
0xa1: {  	[tilespmem:s30], [sflag:$0x3] =	stream.indirect.gather [hbm4b:s1+s12], $0x80, s10, s12, $0xb8;
	v63 =	vld [tilespmem:$0x0]  }
0xa2: {  	s7 =	simm.s32 $0xC80  }
0xa3: {  	[tilespmem:s0], [sflag:$0x3] =	stream.indirect.gather [hbm4b:s1+s12], $0x80, s7, s12, $0xb8;
	v63 =	vld [tilespmem:$0x0]  }
0xa4: {  	s10 =	simm.s32 $0xD00  }
0xa5: {  	[tilespmem:s14], [sflag:$0x3] =	stream.indirect.gather [hbm4b:s1+s12], $0x80, s10, s12, $0xb8;
	v63 =	vld [tilespmem:$0x0]  }
0xa6: {  	s7 =	simm.s32 $0xD80  }
0xa7: {  	[tilespmem:s18], [sflag:$0x3] =	stream.indirect.gather [hbm4b:s1+s12], $0x80, s7, s12, $0xb8;
	v63 =	vld [tilespmem:$0x0]  }
0xa8: {  	_ =	swait.ge [sflag:s20], $0x1900  }
0xa9: {  	[sflag:s20] =	ssyncset.done $0x0  }
0xaa: {  	[sflag:s20] =	ssyncadd.s32 $0xFFFFE700  }
0xab: {  	_ =	swait.ge [sflag:s20], $0x1900  }
0xac: {  	[sflag:s20] =	ssyncset.done $0x0  }
0xad: {  	[sflag:s20] =	ssyncadd.s32 $0xFFFFE700  }
0xae: {  	_ =	swait.ge [sflag:s20], $0x1900  }
0xaf: {  	[sflag:s20] =	ssyncset.done $0x0  }
0xb0: {  	[sflag:s20] =	ssyncadd.s32 $0xFFFFE700  }
0xb1: {  	_ =	swait.ge [sflag:s20], $0x1900  }
0xb2: {  	[sflag:s20] =	ssyncset.done $0x0  }
0xb3: {  	s10 =	sadd.s32 $0xE00, s8;
	[sflag:s20] =	ssyncadd.s32 $0xFFFFE700  }
0xb4: {  	[hbm4b:s10+s3] =	stream.linear.scatter [tilespmem:s13], [sflag:$0x5], $0x1900, $0x38;
	v63 =	vld [tilespmem:$0x0]  }
0xb5: {  	s7 =	sadd.s32 $0x1180, s8  }
0xb6: {  	[hbm4b:s7+s3] =	stream.linear.scatter [tilespmem:s15], [sflag:$0x5], $0x1900, $0x38;
	v63 =	vld [tilespmem:$0x0]  }
0xb7: {  	s10 =	sadd.s32 $0x1500, s8  }
0xb8: {  	[hbm4b:s10+s3] =	stream.linear.scatter [tilespmem:s17], [sflag:$0x5], $0x1900, $0x38;
	v63 =	vld [tilespmem:$0x0]  }
0xb9: {  	s7 =	sadd.s32 $0x1880, s8  }
0xba: {  	[hbm4b:s7+s3] =	stream.linear.scatter [tilespmem:s19], [sflag:$0x5], $0x1900, $0x38;
	v63 =	vld [tilespmem:$0x0]  }
0xbb: {  	_ =	swait.ge [sflag:s6], $0x6400  }
0xbc: {  	[sflag:s6] =	ssyncset.done $0x0  }
0xbd: {  	s10 =	simm.s32 $0xE00;
	[sflag:s6] =	ssyncadd.s32 $0xFFFF9C00  }
0xbe: {  	[tilespmem:s24], [sflag:$0x4] =	stream.indirect.gather [hbm4b:s1+s12], $0x80, s10, s12, $0xb8;
	v63 =	vld [tilespmem:$0x0]  }
0xbf: {  	s7 =	simm.s32 $0xE80  }
0xc0: {  	[tilespmem:s29], [sflag:$0x4] =	stream.indirect.gather [hbm4b:s1+s12], $0x80, s7, s12, $0xb8;
	v63 =	vld [tilespmem:$0x0]  }
0xc1: {  	s10 =	simm.s32 $0xF00  }
0xc2: {  	[tilespmem:s2], [sflag:$0x4] =	stream.indirect.gather [hbm4b:s1+s12], $0x80, s10, s12, $0xb8;
	v63 =	vld [tilespmem:$0x0]  }
0xc3: {  	s7 =	simm.s32 $0xF80  }
0xc4: {  	[tilespmem:s22], [sflag:$0x4] =	stream.indirect.gather [hbm4b:s1+s12], $0x80, s7, s12, $0xb8;
	v63 =	vld [tilespmem:$0x0]  }
0xc5: {  	_ =	swait.ge [sflag:s26], $0x1900  }
0xc6: {  	[sflag:s26] =	ssyncset.done $0x0  }
0xc7: {  	[sflag:s26] =	ssyncadd.s32 $0xFFFFE700  }
0xc8: {  	_ =	swait.ge [sflag:s26], $0x1900  }
0xc9: {  	[sflag:s26] =	ssyncset.done $0x0  }
0xca: {  	[sflag:s26] =	ssyncadd.s32 $0xFFFFE700  }
0xcb: {  	_ =	swait.ge [sflag:s26], $0x1900  }
0xcc: {  	[sflag:s26] =	ssyncset.done $0x0  }
0xcd: {  	[sflag:s26] =	ssyncadd.s32 $0xFFFFE700  }
0xce: {  	_ =	swait.ge [sflag:s26], $0x1900  }
0xcf: {  	[sflag:s26] =	ssyncset.done $0x0  }
0xd0: {  	s10 =	sadd.s32 $0x1C00, s8;
	[sflag:s26] =	ssyncadd.s32 $0xFFFFE700  }
0xd1: {  	[hbm4b:s10+s3] =	stream.linear.scatter [tilespmem:s21], [sflag:$0x6], $0x1900, $0x38;
	v63 =	vld [tilespmem:$0x0]  }
0xd2: {  	s5 =	simm.s32 $0x2000;
	s7 =	sadd.s32 $0x1F80, s8  }
0xd3: {  	[hbm4b:s7+s3] =	stream.linear.scatter [tilespmem:s23], [sflag:$0x6], $0x1900, $0x38;
	v63 =	vld [tilespmem:$0x0]  }
0xd4: {  	s10 =	sadd.s32 $0x2300, s8;
	s7 =	sadd.s32 $0x2680, s8;
	s8 =	sadd.s32 $0x3800, s8  }
0xd5: {  	[hbm4b:s10+s3] =	stream.linear.scatter [tilespmem:s25], [sflag:$0x6], $0x1900, $0x38;
	v63 =	vld [tilespmem:$0x0]  }
.LBB2_2:
0xd6: {  	[hbm4b:s7+s3] =	stream.linear.scatter [tilespmem:s28], [sflag:$0x6], $0x1900, $0x38;
	v63 =	vld [tilespmem:$0x0]  }
0xd7: {  	s7 =	smov.u32 s5  }
0xd8: {  	p0 =	sne.s32 s5, $0xC000;
	s5 =	sadd.s32 $0x2000, s5;
	_ =	swait.ge [sflag:s31], $0x6400  }
0xd9: {  	s7 =	sshra.s32 s7, $0x2;
	[sflag:s31] =	ssyncset.done $0x0  }
0xda: {  	s10 =	sadd.s32 $0x800, s7;
	[sflag:s31] =	ssyncadd.s32 $0xFFFF9C00  }
0xdb: {  	[tilespmem:s13], [sflag:$0x1] =	stream.indirect.gather [hbm4b:s1+s12], $0x80, s10, s12, $0xb8;
	v63 =	vld [tilespmem:$0x0]  }
0xdc: {  	s10 =	sadd.s32 $0x880, s7  }
0xdd: {  	[tilespmem:s15], [sflag:$0x1] =	stream.indirect.gather [hbm4b:s1+s12], $0x80, s10, s12, $0xb8;
	v63 =	vld [tilespmem:$0x0]  }
0xde: {  	s10 =	sadd.s32 $0x900, s7  }
0xdf: {  	[tilespmem:s17], [sflag:$0x1] =	stream.indirect.gather [hbm4b:s1+s12], $0x80, s10, s12, $0xb8;
	v63 =	vld [tilespmem:$0x0]  }
0xe0: {  	s10 =	sadd.s32 $0x980, s7  }
0xe1: {  	[tilespmem:s19], [sflag:$0x1] =	stream.indirect.gather [hbm4b:s1+s12], $0x80, s10, s12, $0xb8;
	v63 =	vld [tilespmem:$0x0]  }
0xe2: {  	_ =	swait.ge [sflag:s16], $0x1900  }
0xe3: {  	[sflag:s16] =	ssyncset.done $0x0  }
0xe4: {  	[sflag:s16] =	ssyncadd.s32 $0xFFFFE700  }
0xe5: {  	_ =	swait.ge [sflag:s16], $0x1900  }
0xe6: {  	[sflag:s16] =	ssyncset.done $0x0  }
0xe7: {  	[sflag:s16] =	ssyncadd.s32 $0xFFFFE700  }
0xe8: {  	_ =	swait.ge [sflag:s16], $0x1900  }
0xe9: {  	[sflag:s16] =	ssyncset.done $0x0  }
0xea: {  	[sflag:s16] =	ssyncadd.s32 $0xFFFFE700  }
0xeb: {  	_ =	swait.ge [sflag:s16], $0x1900  }
0xec: {  	[sflag:s16] =	ssyncset.done $0x0  }
0xed: {  	s10 =	sadd.s32 $0xFFFFF200, s8;
	[sflag:s16] =	ssyncadd.s32 $0xFFFFE700  }
0xee: {  	[hbm4b:s10+s3] =	stream.linear.scatter [tilespmem:s30], [sflag:$0x7], $0x1900, $0x38;
	v63 =	vld [tilespmem:$0x0]  }
0xef: {  	s10 =	sadd.s32 $0xFFFFF580, s8  }
0xf0: {  	[hbm4b:s10+s3] =	stream.linear.scatter [tilespmem:s0], [sflag:$0x7], $0x1900, $0x38;
	v63 =	vld [tilespmem:$0x0]  }
0xf1: {  	s10 =	sadd.s32 $0xFFFFF900, s8  }
0xf2: {  	[hbm4b:s10+s3] =	stream.linear.scatter [tilespmem:s14], [sflag:$0x7], $0x1900, $0x38;
	v63 =	vld [tilespmem:$0x0]  }
0xf3: {  	s10 =	sadd.s32 $0xFFFFFC80, s8  }
0xf4: {  	[hbm4b:s10+s3] =	stream.linear.scatter [tilespmem:s18], [sflag:$0x7], $0x1900, $0x38;
	v63 =	vld [tilespmem:$0x0]  }
0xf5: {  	_ =	swait.ge [sflag:s4], $0x6400  }
0xf6: {  	[sflag:s4] =	ssyncset.done $0x0  }
0xf7: {  	s10 =	sadd.s32 $0xA00, s7;
	[sflag:s4] =	ssyncadd.s32 $0xFFFF9C00  }
0xf8: {  	[tilespmem:s21], [sflag:$0x2] =	stream.indirect.gather [hbm4b:s1+s12], $0x80, s10, s12, $0xb8;
	v63 =	vld [tilespmem:$0x0]  }
0xf9: {  	s10 =	sadd.s32 $0xA80, s7  }
0xfa: {  	[tilespmem:s23], [sflag:$0x2] =	stream.indirect.gather [hbm4b:s1+s12], $0x80, s10, s12, $0xb8;
	v63 =	vld [tilespmem:$0x0]  }
0xfb: {  	s10 =	sadd.s32 $0xB00, s7  }
0xfc: {  	[tilespmem:s25], [sflag:$0x2] =	stream.indirect.gather [hbm4b:s1+s12], $0x80, s10, s12, $0xb8;
	v63 =	vld [tilespmem:$0x0]  }
0xfd: {  	s10 =	sadd.s32 $0xB80, s7  }
0xfe: {  	[tilespmem:s28], [sflag:$0x2] =	stream.indirect.gather [hbm4b:s1+s12], $0x80, s10, s12, $0xb8;
	v63 =	vld [tilespmem:$0x0]  }
0xff: {  	_ =	swait.ge [sflag:s9], $0x1900  }
0x100: {  	[sflag:s9] =	ssyncset.done $0x0  }
0x101: {  	[sflag:s9] =	ssyncadd.s32 $0xFFFFE700  }
0x102: {  	_ =	swait.ge [sflag:s9], $0x1900  }
0x103: {  	[sflag:s9] =	ssyncset.done $0x0  }
0x104: {  	[sflag:s9] =	ssyncadd.s32 $0xFFFFE700  }
0x105: {  	_ =	swait.ge [sflag:s9], $0x1900  }
0x106: {  	[sflag:s9] =	ssyncset.done $0x0  }
0x107: {  	[sflag:s9] =	ssyncadd.s32 $0xFFFFE700  }
0x108: {  	_ =	swait.ge [sflag:s9], $0x1900  }
0x109: {  	[sflag:s9] =	ssyncset.done $0x0  }
0x10a: {  	[sflag:s9] =	ssyncadd.s32 $0xFFFFE700  }
0x10b: {  	[hbm4b:s8+s3] =	stream.linear.scatter [tilespmem:s24], [sflag:$0x8], $0x1900, $0x38;
	v63 =	vld [tilespmem:$0x0]  }
0x10c: {  	s10 =	sadd.s32 $0x380, s8  }
0x10d: {  	[hbm4b:s10+s3] =	stream.linear.scatter [tilespmem:s29], [sflag:$0x8], $0x1900, $0x38;
	v63 =	vld [tilespmem:$0x0]  }
0x10e: {  	s10 =	sadd.s32 $0x700, s8  }
0x10f: {  	[hbm4b:s10+s3] =	stream.linear.scatter [tilespmem:s2], [sflag:$0x8], $0x1900, $0x38;
	v63 =	vld [tilespmem:$0x0]  }
0x110: {  	s10 =	sadd.s32 $0xA80, s8  }
0x111: {  	[hbm4b:s10+s3] =	stream.linear.scatter [tilespmem:s22], [sflag:$0x8], $0x1900, $0x38;
	v63 =	vld [tilespmem:$0x0]  }
0x112: {  	_ =	swait.ge [sflag:s11], $0x6400  }
0x113: {  	[sflag:s11] =	ssyncset.done $0x0  }
0x114: {  	s10 =	sadd.s32 $0xC00, s7;
	[sflag:s11] =	ssyncadd.s32 $0xFFFF9C00  }
0x115: {  	[tilespmem:s30], [sflag:$0x3] =	stream.indirect.gather [hbm4b:s1+s12], $0x80, s10, s12, $0xb8;
	v63 =	vld [tilespmem:$0x0]  }
0x116: {  	s10 =	sadd.s32 $0xC80, s7  }
0x117: {  	[tilespmem:s0], [sflag:$0x3] =	stream.indirect.gather [hbm4b:s1+s12], $0x80, s10, s12, $0xb8;
	v63 =	vld [tilespmem:$0x0]  }
0x118: {  	s10 =	sadd.s32 $0xD00, s7  }
0x119: {  	[tilespmem:s14], [sflag:$0x3] =	stream.indirect.gather [hbm4b:s1+s12], $0x80, s10, s12, $0xb8;
	v63 =	vld [tilespmem:$0x0]  }
0x11a: {  	s10 =	sadd.s32 $0xD80, s7  }
0x11b: {  	[tilespmem:s18], [sflag:$0x3] =	stream.indirect.gather [hbm4b:s1+s12], $0x80, s10, s12, $0xb8;
	v63 =	vld [tilespmem:$0x0]  }
0x11c: {  	_ =	swait.ge [sflag:s20], $0x1900  }
0x11d: {  	[sflag:s20] =	ssyncset.done $0x0  }
0x11e: {  	[sflag:s20] =	ssyncadd.s32 $0xFFFFE700  }
0x11f: {  	_ =	swait.ge [sflag:s20], $0x1900  }
0x120: {  	[sflag:s20] =	ssyncset.done $0x0  }
0x121: {  	[sflag:s20] =	ssyncadd.s32 $0xFFFFE700  }
0x122: {  	_ =	swait.ge [sflag:s20], $0x1900  }
0x123: {  	[sflag:s20] =	ssyncset.done $0x0  }
0x124: {  	[sflag:s20] =	ssyncadd.s32 $0xFFFFE700  }
0x125: {  	_ =	swait.ge [sflag:s20], $0x1900  }
0x126: {  	[sflag:s20] =	ssyncset.done $0x0  }
0x127: {  	s10 =	sadd.s32 $0xE00, s8;
	[sflag:s20] =	ssyncadd.s32 $0xFFFFE700  }
0x128: {  	[hbm4b:s10+s3] =	stream.linear.scatter [tilespmem:s13], [sflag:$0x5], $0x1900, $0x38;
	v63 =	vld [tilespmem:$0x0]  }
0x129: {  	s10 =	sadd.s32 $0x1180, s8  }
0x12a: {  	[hbm4b:s10+s3] =	stream.linear.scatter [tilespmem:s15], [sflag:$0x5], $0x1900, $0x38;
	v63 =	vld [tilespmem:$0x0]  }
0x12b: {  	s10 =	sadd.s32 $0x1500, s8  }
0x12c: {  	[hbm4b:s10+s3] =	stream.linear.scatter [tilespmem:s17], [sflag:$0x5], $0x1900, $0x38;
	v63 =	vld [tilespmem:$0x0]  }
0x12d: {  	s10 =	sadd.s32 $0x1880, s8  }
0x12e: {  	[hbm4b:s10+s3] =	stream.linear.scatter [tilespmem:s19], [sflag:$0x5], $0x1900, $0x38;
	v63 =	vld [tilespmem:$0x0]  }
0x12f: {  	_ =	swait.ge [sflag:s6], $0x6400  }
0x130: {  	[sflag:s6] =	ssyncset.done $0x0  }
0x131: {  	s10 =	sadd.s32 $0xE00, s7;
	[sflag:s6] =	ssyncadd.s32 $0xFFFF9C00  }
0x132: {  	[tilespmem:s24], [sflag:$0x4] =	stream.indirect.gather [hbm4b:s1+s12], $0x80, s10, s12, $0xb8;
	v63 =	vld [tilespmem:$0x0]  }
0x133: {  	s10 =	sadd.s32 $0xE80, s7  }
0x134: {  	[tilespmem:s29], [sflag:$0x4] =	stream.indirect.gather [hbm4b:s1+s12], $0x80, s10, s12, $0xb8;
	v63 =	vld [tilespmem:$0x0]  }
0x135: {  	s10 =	sadd.s32 $0xF00, s7  }
0x136: {  	[tilespmem:s2], [sflag:$0x4] =	stream.indirect.gather [hbm4b:s1+s12], $0x80, s10, s12, $0xb8;
	v63 =	vld [tilespmem:$0x0]  }
0x137: {  	s7 =	sadd.s32 $0xF80, s7  }
0x138: {  	[tilespmem:s22], [sflag:$0x4] =	stream.indirect.gather [hbm4b:s1+s12], $0x80, s7, s12, $0xb8;
	v63 =	vld [tilespmem:$0x0]  }
0x139: {  	_ =	swait.ge [sflag:s26], $0x1900  }
0x13a: {  	[sflag:s26] =	ssyncset.done $0x0  }
0x13b: {  	[sflag:s26] =	ssyncadd.s32 $0xFFFFE700  }
0x13c: {  	_ =	swait.ge [sflag:s26], $0x1900  }
0x13d: {  	[sflag:s26] =	ssyncset.done $0x0  }
0x13e: {  	[sflag:s26] =	ssyncadd.s32 $0xFFFFE700  }
0x13f: {  	_ =	swait.ge [sflag:s26], $0x1900  }
0x140: {  	[sflag:s26] =	ssyncset.done $0x0  }
0x141: {  	[sflag:s26] =	ssyncadd.s32 $0xFFFFE700  }
0x142: {  	_ =	swait.ge [sflag:s26], $0x1900  }
0x143: {  	[sflag:s26] =	ssyncset.done $0x0  }
0x144: {  	s7 =	sadd.s32 $0x1C00, s8;
	[sflag:s26] =	ssyncadd.s32 $0xFFFFE700  }
0x145: {  	[hbm4b:s7+s3] =	stream.linear.scatter [tilespmem:s21], [sflag:$0x6], $0x1900, $0x38;
	v63 =	vld [tilespmem:$0x0]  }
.Ltmp0:
0x146: {  	s7 =	sadd.s32 $0x1F80, s8;
	(pc) =	sbr.rel @p0 .LBB2_2-.Ltmp0, $4  }
0x147: {  	[hbm4b:s7+s3] =	stream.linear.scatter [tilespmem:s23], [sflag:$0x6], $0x1900, $0x38;
	v63 =	vld [tilespmem:$0x0]  }
0x148: {  	s7 =	sadd.s32 $0x2300, s8  }
0x149: {  	[hbm4b:s7+s3] =	stream.linear.scatter [tilespmem:s25], [sflag:$0x6], $0x1900, $0x38;
	v63 =	vld [tilespmem:$0x0]  }
0x14a: {  	s7 =	sadd.s32 $0x2680, s8;
	s8 =	sadd.s32 $0x3800, s8  }
0x14b: {  	[hbm4b:s7+s3] =	stream.linear.scatter [tilespmem:s28], [sflag:$0x6], $0x1900, $0x38;
	v63 =	vld [tilespmem:$0x0]  }
0x14c: {  	_ =	swait.ge [sflag:s16], $0x1900  }
0x14d: {  	[sflag:s16] =	ssyncset.done $0x0  }
0x14e: {  	[sflag:s16] =	ssyncadd.s32 $0xFFFFE700  }
0x14f: {  	_ =	swait.ge [sflag:s16], $0x1900  }
0x150: {  	[sflag:s16] =	ssyncset.done $0x0  }
0x151: {  	[sflag:s16] =	ssyncadd.s32 $0xFFFFE700  }
0x152: {  	_ =	swait.ge [sflag:s16], $0x1900  }
0x153: {  	[sflag:s16] =	ssyncset.done $0x0  }
0x154: {  	[sflag:s16] =	ssyncadd.s32 $0xFFFFE700  }
0x155: {  	_ =	swait.ge [sflag:s16], $0x1900  }
0x156: {  	[sflag:s16] =	ssyncset.done $0x0  }
0x157: {  	s8 =	rddreg [dreg:$0x7];
	[sflag:s16] =	ssyncadd.s32 $0xFFFFE700  }
0x158: {  	[hbm4b:s8+s3] =	stream.linear.scatter [tilespmem:s30], [sflag:$0x7], $0x1900, $0x38;
	v63 =	vld [tilespmem:$0x0]  }
0x159: {  	s5 =	sadd.s32 $0x380, s8  }
0x15a: {  	[hbm4b:s5+s3] =	stream.linear.scatter [tilespmem:s0], [sflag:$0x7], $0x1900, $0x38;
	v63 =	vld [tilespmem:$0x0]  }
0x15b: {  	s10 =	sadd.s32 $0x700, s8  }
0x15c: {  	[hbm4b:s10+s3] =	stream.linear.scatter [tilespmem:s14], [sflag:$0x7], $0x1900, $0x38;
	v63 =	vld [tilespmem:$0x0]  }
0x15d: {  	s7 =	sadd.s32 $0xA80, s8  }
0x15e: {  	[hbm4b:s7+s3] =	stream.linear.scatter [tilespmem:s18], [sflag:$0x7], $0x1900, $0x38;
	v63 =	vld [tilespmem:$0x0]  }
0x15f: {  	_ =	swait.ge [sflag:s9], $0x1900  }
0x160: {  	[sflag:s9] =	ssyncset.done $0x0  }
0x161: {  	[sflag:s9] =	ssyncadd.s32 $0xFFFFE700  }
0x162: {  	_ =	swait.ge [sflag:s9], $0x1900  }
0x163: {  	[sflag:s9] =	ssyncset.done $0x0  }
0x164: {  	[sflag:s9] =	ssyncadd.s32 $0xFFFFE700  }
0x165: {  	_ =	swait.ge [sflag:s9], $0x1900  }
0x166: {  	[sflag:s9] =	ssyncset.done $0x0  }
0x167: {  	[sflag:s9] =	ssyncadd.s32 $0xFFFFE700  }
0x168: {  	_ =	swait.ge [sflag:s9], $0x1900  }
0x169: {  	[sflag:s9] =	ssyncset.done $0x0  }
0x16a: {  	s7 =	rddreg [dreg:$0x8];
	[sflag:s9] =	ssyncadd.s32 $0xFFFFE700  }
0x16b: {  	[hbm4b:s7+s3] =	stream.linear.scatter [tilespmem:s24], [sflag:$0x8], $0x1900, $0x38;
	v63 =	vld [tilespmem:$0x0]  }
0x16c: {  	s8 =	sadd.s32 $0x380, s7  }
0x16d: {  	[hbm4b:s8+s3] =	stream.linear.scatter [tilespmem:s29], [sflag:$0x8], $0x1900, $0x38;
	v63 =	vld [tilespmem:$0x0]  }
0x16e: {  	s10 =	sadd.s32 $0x700, s7  }
0x16f: {  	[hbm4b:s10+s3] =	stream.linear.scatter [tilespmem:s2], [sflag:$0x8], $0x1900, $0x38;
	v63 =	vld [tilespmem:$0x0]  }
0x170: {  	s7 =	sadd.s32 $0xA80, s7  }
0x171: {  	[hbm4b:s7+s3] =	stream.linear.scatter [tilespmem:s22], [sflag:$0x8], $0x1900, $0x38;
	v63 =	vld [tilespmem:$0x0]  }
0x172: {  	_ =	swait.ge [sflag:s31], $0x6400  }
0x173: {  	[sflag:s31] =	ssyncset.done $0x0  }
0x174: {  	[sflag:s31] =	ssyncadd.s32 $0xFFFF9C00  }
0x175: {  	_ =	swait.ge [sflag:s4], $0x6400  }
0x176: {  	[sflag:s4] =	ssyncset.done $0x0  }
0x177: {  	[sflag:s4] =	ssyncadd.s32 $0xFFFF9C00  }
0x178: {  	_ =	swait.ge [sflag:s11], $0x6400  }
0x179: {  	[sflag:s11] =	ssyncset.done $0x0  }
0x17a: {  	[sflag:s11] =	ssyncadd.s32 $0xFFFF9C00  }
0x17b: {  	_ =	swait.ge [sflag:s6], $0x6400  }
0x17c: {  	s8 =	rddreg [dreg:$0xb]  }
0x17d: {  	s10 =	rddreg [dreg:$0x9];
	s7 =	sadd.s32 $0x1, s8  }
0x17e: {  	p0 =	sne.s32 s7, s10  }
.Ltmp1:
0x17f: {  	_ = 	snop;
	(pc) =	sbr.rel @p0 .LBB2_1-.Ltmp1, $3  }
0x180: {  	_ =	sdelay $0x1  }
0x181: {  	[sflag:s6] =	ssyncset.done $0x0  }
0x182: {  	[sflag:s6] =	ssyncadd.s32 $0xFFFF9C00  }
0x183: {  	_ =	sfence.sel $0x180000  }
0x184: {  	[bflag:$0x0] =	sbarrier.arrive $0xFFFF  }
0x185: {  	_ =	strace $0x90000047  }
0x186: {  	s0 =	stileid.u32;
	[bflag:$0x2] =	sbarrier.arrive $0xFFFF  }
0x187: {  	p0 =	sne.s32 s0, $0x0;
	s0 =	rddreg [dreg:$0x3]  }
0x188: {  	s0 =	sadd.s32 @!p0 $0x100000, s0  }
0x189: {  	[sflag:s0] =	ssyncadd.tile.s32 @!p0 $0x1;
	_ =	shalt  }
.Lfunc_end2:
_tile_overlayer_lowered:
.L_overlay_start_2:
0x18a: {  	(tag) =	ssettag $0x2  }
0x18b: {  	s0 =	rddreg [dreg:$0x0];
	s2 =	stileid.u32  }
0x18c: {  	s1 =	rddreg [dreg:$0x1];
	p0 =	sne.s32 s2, $0x0  }
0x18d: {  	s3 =	rddreg [dreg:$0x2];
	[bflag:$0x3] =	sbarrier.arrive $0xFFFF;
	s2 =	simm.s32 @!p0 $0x1C09  }
0x18e: {  	[timem:s3], [sflag:s2] =	dma.local @!p0 [hbm:s0], s1  }
0x18f: {  	s0 =	simm.s32 @!p0 $0x9  }
0x190: {  	_ =	swait.ge @!p0 [sflag:s0], s1  }
0x191: {  	s1 =	ssub.s32 @!p0 $0x0, s1;
	[sflag:s0] =	ssyncset.done @!p0 $0x0  }
0x192: {  	[sflag:s0] =	ssyncadd.s32 @!p0 s1  }
0x193: {  	[bflag:$0x3] =	sbarrier.arrive $0xFFFF  }
0x194: {  	_ =	shalt  }

</sc_bundles>
